<compile_context>
chip_gen: v7x
topology: tpu7x:2x2x1
jax: 0.10.2.dev20260603
libtpu: 0.0.44.dev20260713+nightly
codegen_flags: <defaults>
</compile_context>

<pallas_src>
import functools
import math

import jax
import jax.numpy as jnp
from jax import lax
from jax.experimental import pallas as pl
from jax.experimental.pallas import tpu as pltpu
from jax.experimental.pallas import tpu_sc as plsc

NC = 80
IOU_THR = 0.45
HYP_CLS = 0.5
HYP_BOX = 7.5
EPS = 1e-7
BN = 512


def _dense_body(n_real, pp_ref, tgt_ref, tg_ref, gout_ref):
    b = pl.program_id(0)
    px1 = pp_ref[:, 0:1]
    py1 = pp_ref[:, 1:2]
    px2 = pp_ref[:, 2:3]
    py2 = pp_ref[:, 3:4]
    tx1 = tgt_ref[0:1, :]
    ty1 = tgt_ref[1:2, :]
    tx2 = tgt_ref[2:3, :]
    ty2 = tgt_ref[3:4, :]

    ap = (px2 - px1) * (py2 - py1)
    at = (tx2 - tx1) * (ty2 - ty1)
    iw = jnp.maximum(jnp.minimum(px2, tx2) - jnp.maximum(px1, tx1), 0.0)
    ih = jnp.maximum(jnp.minimum(py2, ty2) - jnp.maximum(py1, ty1), 0.0)
    inter = iw * ih
    iou = inter / (ap + at - inter + EPS)

    mx = jnp.max(iou, axis=1, keepdims=True)
    jid = lax.broadcasted_iota(jnp.int32, iou.shape, 1)
    cand = jnp.where(iou == mx, jid, jnp.int32(2 ** 30))
    idx = jnp.min(cand, axis=1, keepdims=True)
    sel = jid == idx

    row = b * BN + lax.broadcasted_iota(jnp.int32, (BN, 1), 0)
    keep = (mx > IOU_THR) & (row < n_real)
    kf = keep.astype(jnp.float32)

    selk = jnp.where(sel, kf, 0.0)
    g = lax.dot_general(tg_ref[...], selk,
                        (((0,), (1,)), ((), ())),
                        preferred_element_type=jnp.float32)
    gout_ref[...] = g


def _sc_scatter_body(np_, mp, nw, idx_ref, kf_ref, bins_ref, idx_v, kf_v,
                     zero_v, shared_v):
    bpw = np_ // nw
    c = lax.axis_index("c")
    s = lax.axis_index("s")
    base = (s * 2 + c) * bpw
    pltpu.sync_copy(idx_ref.at[pl.ds(base, bpw)], idx_v)
    pltpu.sync_copy(kf_ref.at[pl.ds(base, bpw)], kf_v)
    for i in range(mp // 16):
        zero_v[pl.ds(i * 16, 16)] = jnp.zeros((16,), jnp.float32)

    @pl.when(s == 0)
    def _():
        pltpu.sync_copy(zero_v, shared_v)

    plsc.subcore_barrier()
    pltpu.sync_copy(kf_v, shared_v.at[idx_v], add=True)
    plsc.subcore_barrier()

    @pl.when(s == 0)
    def _():
        pltpu.sync_copy(shared_v, bins_ref.at[c])


def _final_body(n_real, m_real, ppt_ref, gt_ref, mat_ref, out_ref):
    px1 = ppt_ref[0:1, :]
    py1 = ppt_ref[1:2, :]
    px2 = ppt_ref[2:3, :]
    py2 = ppt_ref[3:4, :]
    ps = ppt_ref[4:5, :]
    pc = ppt_ref[5:6, :]
    bx1 = gt_ref[0:1, :]
    by1 = gt_ref[1:2, :]
    bx2 = gt_ref[2:3, :]
    by2 = gt_ref[3:4, :]
    bc = jnp.round(gt_ref[4:5, :])
    kf = gt_ref[5:6, :]
    keep = kf > 0.5
    col = lax.broadcasted_iota(jnp.int32, ps.shape, 1)
    valid = col < n_real

    s_safe = jnp.where(keep, ps, 0.5)
    bce = kf * jnp.where(pc == bc, -jnp.log(s_safe),
                         100.0 - jnp.maximum(jnp.log1p(-s_safe), -100.0))

    unm = valid & ~keep
    u = jnp.where(unm, jnp.log(jnp.where(unm, ps, 0.5)), 0.0)

    w1 = px2 - px1
    h1 = py2 - py1 + EPS
    w2 = bx2 - bx1
    h2 = by2 - by1 + EPS
    iw2 = jnp.maximum(jnp.minimum(px2, bx2) - jnp.maximum(px1, bx1), 0.0)
    ih2 = jnp.maximum(jnp.minimum(py2, by2) - jnp.maximum(py1, by1), 0.0)
    inter2 = iw2 * ih2
    union = w1 * h1 + w2 * h2 - inter2 + EPS
    iou2 = inter2 / union
    cw = jnp.maximum(px2, bx2) - jnp.minimum(px1, bx1)
    ch = jnp.maximum(py2, by2) - jnp.minimum(py1, by1)
    c2 = cw * cw + ch * ch + EPS
    rho2 = ((bx1 + bx2 - px1 - px2) ** 2 + (by1 + by2 - py1 - py2) ** 2) / 4.0
    v = (4.0 / math.pi ** 2) * (jnp.arctan2(w2, h2) - jnp.arctan2(w1, h1)) ** 2
    alpha = v / (v - iou2 + (1.0 + EPS))
    ciou = iou2 - (rho2 / c2 + v * alpha)
    bb = kf * (1.0 - ciou)

    kf_t = jnp.sum(kf)
    bce_t = jnp.sum(bce)
    u_t = jnp.sum(u)
    bb_t = jnp.sum(bb)
    cnt = jnp.sum(
        (mat_ref[0:1, :] + mat_ref[1:2, :] > 0.0).astype(jnp.float32))

    n_kept = jnp.maximum(kf_t, 1.0)
    cls_loss = bce_t / (n_kept * NC) - u_t + (m_real - cnt)
    total = HYP_CLS * cls_loss + HYP_BOX * bb_t / n_kept
    out_ref[...] = jnp.full((8, 128), total, jnp.float32)


def kernel(preds, targets):
    n, _ = preds.shape
    m, _ = targets.shape
    np_ = ((n + BN - 1) // BN) * BN
    mp = ((m + 127) // 128) * 128

    pp = jnp.zeros((np_, 8), jnp.float32).at[:n, :6].set(preds)
    ppt = jnp.zeros((8, np_), jnp.float32).at[:6, :n].set(preds.T)
    tgt = jnp.zeros((8, mp), jnp.float32).at[:5, :m].set(targets.T)
    ar = jnp.arange(m)
    tg = (jnp.zeros((mp, 8), jnp.float32).at[:m, :5].set(targets)
          .at[:m, 5].set(1.0)
          .at[:m, 6].set((ar // 32).astype(jnp.float32))
          .at[:m, 7].set((ar % 32).astype(jnp.float32)))

    grid = np_ // BN
    gout = pl.pallas_call(
        functools.partial(_dense_body, n),
        grid=(grid,),
        in_specs=[
            pl.BlockSpec((BN, 8), lambda b: (b, 0)),
            pl.BlockSpec((8, mp), lambda b: (0, 0)),
            pl.BlockSpec((mp, 8), lambda b: (0, 0)),
        ],
        out_specs=pl.BlockSpec((8, BN), lambda b: (0, b)),
        out_shape=jax.ShapeDtypeStruct((8, np_), jnp.float32),
    )(pp, tgt, tg)

    nw = 32
    idx_flat = jnp.round(gout[6] * 32.0 + gout[7]).astype(jnp.int32)
    kf_flat = gout[5]
    bins = pl.kernel(
        functools.partial(_sc_scatter_body, np_, mp, nw),
        out_type=jax.ShapeDtypeStruct((2, mp), jnp.float32),
        scratch_types=[
            pltpu.VMEM((np_ // nw,), jnp.int32),
            pltpu.VMEM((np_ // nw,), jnp.float32),
            pltpu.VMEM((mp,), jnp.float32),
            pltpu.VMEM_SHARED((mp,), jnp.float32),
        ],
        mesh=plsc.VectorSubcoreMesh(core_axis_name="c", subcore_axis_name="s"),
    )(idx_flat, kf_flat)

    out = pl.pallas_call(
        functools.partial(_final_body, n, m),
        in_specs=[
            pl.BlockSpec((8, np_), lambda: (0, 0)),
            pl.BlockSpec((8, np_), lambda: (0, 0)),
            pl.BlockSpec((2, mp), lambda: (0, 0)),
        ],
        out_specs=pl.BlockSpec((8, 128), lambda: (0, 0)),
        out_shape=jax.ShapeDtypeStruct((8, 128), jnp.float32),
    )(ppt, gout, bins)
    return out[0, 0]

# --- scband reference (transcript-rebuilt; emitter-appended) ---
"""Pipeline reference for scband-post-nmsloss-29128468201864 (READ-ONLY COPY).

The authoritative reference and input builder live on the scoring server;
editing this copy changes nothing except your own understanding.
"""

import jax, jax.numpy as jnp
import numpy as np
import math

NC = 80
IOU_THR = 0.45
HYP_CLS = 0.5
HYP_BOX = 7.5
EPS = 1e-7


def setup_inputs(seed: int = 0):
    key = jax.random.key(seed)
    kM, kW, kC, kI, kJ, kS, kP, kQ = jax.random.split(key, 8)
    M, N = 2000, 5000
    cxcy = jax.random.uniform(kM, (M, 2), minval=32.0, maxval=608.0)
    wh = jax.random.uniform(kW, (M, 2), minval=16.0, maxval=128.0)
    tb = jnp.concatenate([cxcy - wh / 2, cxcy + wh / 2], axis=1)
    tb = jnp.clip(tb, 0.0, 640.0)
    tcls = jax.random.randint(kC, (M,), 0, NC)
    targets = jnp.concatenate([tb, tcls[:, None].astype(jnp.float32)], axis=1)
    idx = jax.random.randint(kI, (N,), 0, M)
    jitter = jax.random.normal(kJ, (N, 4)) * 6.0
    pb = tb[idx] + jitter
    x1 = jnp.minimum(pb[:, 0], pb[:, 2] - 1.0)
    x2 = jnp.maximum(pb[:, 0] + 1.0, pb[:, 2])
    y1 = jnp.minimum(pb[:, 1], pb[:, 3] - 1.0)
    y2 = jnp.maximum(pb[:, 1] + 1.0, pb[:, 3])
    pb = jnp.clip(jnp.stack([x1, y1, x2, y2], axis=1), 0.0, 640.0)
    scores = jax.random.uniform(kS, (N,), minval=0.05, maxval=0.95)
    same = jax.random.uniform(kP, (N,)) < 0.85
    rnd_cls = jax.random.randint(kQ, (N,), 0, NC)
    pcls = jnp.where(same, tcls[idx], rnd_cls).astype(jnp.float32)
    preds = jnp.concatenate([pb, scores[:, None], pcls[:, None]], axis=1)
    return {"preds": preds, "targets": targets}


def _pairwise_iou(boxes1, boxes2):
    # boxes1 [N,4], boxes2 [M,4] in xyxy -> [N,M]
    a1 = (boxes1[:, 2] - boxes1[:, 0]) * (boxes1[:, 3] - boxes1[:, 1])
    a2 = (boxes2[:, 2] - boxes2[:, 0]) * (boxes2[:, 3] - boxes2[:, 1])
    lt = jnp.maximum(boxes1[:, None, :2], boxes2[None, :, :2])
    rb = jnp.minimum(boxes1[:, None, 2:], boxes2[None, :, 2:])
    whi = jnp.clip(rb - lt, 0.0)
    inter = whi[..., 0] * whi[..., 1]
    return inter / (a1[:, None] + a2[None, :] - inter + EPS)


def _bbox_ciou(box1, box2):
    # elementwise CIoU, xywh=False (xyxy), matching ultralytics bbox_iou
    b1x1, b1y1, b1x2, b1y2 = box1[:, 0], box1[:, 1], box1[:, 2], box1[:, 3]
    b2x1, b2y1, b2x2, b2y2 = box2[:, 0], box2[:, 1], box2[:, 2], box2[:, 3]
    w1, h1 = b1x2 - b1x1, b1y2 - b1y1 + EPS
    w2, h2 = b2x2 - b2x1, b2y2 - b2y1 + EPS
    inter = jnp.clip(jnp.minimum(b1x2, b2x2) - jnp.maximum(b1x1, b2x1), 0.0) * \
            jnp.clip(jnp.minimum(b1y2, b2y2) - jnp.maximum(b1y1, b2y1), 0.0)
    union = w1 * h1 + w2 * h2 - inter + EPS
    iou = inter / union
    cw = jnp.maximum(b1x2, b2x2) - jnp.minimum(b1x1, b2x1)
    ch = jnp.maximum(b1y2, b2y2) - jnp.minimum(b1y1, b2y1)
    c2 = cw ** 2 + ch ** 2 + EPS
    rho2 = ((b2x1 + b2x2 - b1x1 - b1x2) ** 2 + (b2y1 + b2y2 - b1y1 - b1y2) ** 2) / 4.0
    v = (4.0 / math.pi ** 2) * (jnp.arctan(w2 / h2) - jnp.arctan(w1 / h1)) ** 2
    alpha = jax.lax.stop_gradient(v / (v - iou + (1.0 + EPS)))
    return iou - (rho2 / c2 + v * alpha)


def reference(preds, targets):
    N = preds.shape[0]
    M = targets.shape[0]
    pred_boxes = preds[:, :4]
    pred_scores = preds[:, 4]
    pred_cls = jnp.asarray(jax.lax.stop_gradient(preds[:, 5]), jnp.int32)
    tgt_boxes = targets[:, :4]
    tgt_cls = jnp.asarray(jax.lax.stop_gradient(targets[:, 4]), jnp.int32)

    # match_predictions_to_targets
    ious = _pairwise_iou(pred_boxes, tgt_boxes)
    max_ious = jnp.max(ious, axis=1)
    idx = jnp.argmax(ious, axis=1)
    keep = max_ious > IOU_THR
    kf = keep.astype(jnp.float32)
    n_kept = jnp.maximum(kf.sum(), 1.0)

    m_tgt_boxes = tgt_boxes[idx]
    m_tgt_cls = tgt_cls[idx]

    # BCE over matched set (one-hot targets, scattered pred scores); unkept rows
    # are all-zero (p=0, t=0 -> elementwise bce 0) so we divide by n_kept*nc.
    rows = jnp.arange(N)
    p_mat = jnp.zeros((N, NC), jnp.float32).at[rows, pred_cls].set(pred_scores * kf)
    t_mat = jnp.zeros((N, NC), jnp.float32).at[rows, m_tgt_cls].set(kf)
    safe_p = jnp.where(p_mat > 0, p_mat, 1.0)
    logp = jnp.where(p_mat > 0, jnp.log(safe_p), -100.0)  # torch BCE clamps log at -100
    log1mp = jnp.maximum(jnp.log1p(-p_mat), -100.0)
    bce_el = -(t_mat * logp + (1.0 - t_mat) * log1mp)
    cls_loss = bce_el.sum() / (n_kept * NC)

    # unmatched preds: -= sum(log(score)) over preds below IoU threshold
    cls_loss = cls_loss - jnp.where(~keep, jnp.log(pred_scores), 0.0).sum()

    # unmatched targets: += count of gt boxes never matched
    matched_any = jnp.zeros((M,), jnp.float32).at[idx].add(kf) > 0
    cls_loss = cls_loss + (M - matched_any.sum()).astype(jnp.float32)

    # BboxLoss: (1 - CIoU).sum() / n_matched over matched pairs
    ciou = _bbox_ciou(pred_boxes, m_tgt_boxes)
    bbox_loss = (kf * (1.0 - ciou)).sum() / n_kept

    total_loss = HYP_CLS * cls_loss + HYP_BOX * bbox_loss
    return total_loss

if __name__ == "__main__":
    import jax
    _d = setup_inputs()
    print(jax.jit(kernel)(*tuple(_d.values())))

</pallas_src>

<mosaic_0001>
#map = affine_map<(d0, d1) -> (0)>
#map1 = affine_map<(d0, d1) -> (0, 0)>
module attributes {stable_mosaic.version = 14 : i64} {
  func.func @_sc_scatter_body(%arg0: i32, %arg1: i32, %arg2: memref<5120xi32, #tpu.memory_space<hbm>>, %arg3: memref<5120xf32, #tpu.memory_space<hbm>>, %arg4: memref<2x2048xf32, #tpu.memory_space<hbm>>, %arg5: memref<160xi32, #tpu.memory_space<vmem>>, %arg6: memref<160xf32, #tpu.memory_space<vmem>>, %arg7: memref<2048xf32, #tpu.memory_space<vmem>>, %arg8: memref<2048xf32, #tpu.memory_space<vmem_shared>>) attributes {dimension_semantics = [#tpu.dimension_semantics<core_parallel>, #tpu.dimension_semantics<subcore_parallel>], iteration_bounds = array<i64: 2, 16>, scalar_prefetch = 0 : i64, scratch_operands = 4 : i64, tpu.core_type = #tpu.core_type<sc_vector_subcore>, window_params = [{transform_indices = #map}, {transform_indices = #map}, {transform_indices = #map1}]} {
    %mul3A = arith.constant 2 : i32
    %mul3A_0 = arith.muli %arg1, %mul3A : i32
    %add3A = arith.addi %mul3A_0, %arg0 : i32
    %mul3A_1 = arith.constant 160 : i32
    %mul3A_2 = arith.muli %add3A, %mul3A_1 : i32
    "tpu.region"() ({
      %run_scoped3A = tpu.sem_alloc : memref<!tpu.dma_semaphore, #tpu.memory_space<semaphore_mem>>
      %dma_start3A = tpu.memref_slice %arg2[%mul3A_2] : memref<5120xi32, #tpu.memory_space<hbm>> -> memref<160xi32, #tpu.memory_space<hbm>>
      %dma_start3A_777 = tpu.memref_slice %arg2[%mul3A_2] : memref<5120xi32, #tpu.memory_space<hbm>> -> memref<160xi32, #tpu.memory_space<hbm>>
      tpu.enqueue_dma source(%dma_start3A_777 : memref<160xi32, #tpu.memory_space<hbm>>) target(%arg5 : memref<160xi32, #tpu.memory_space<vmem>>) target_semaphore(%run_scoped3A : memref<!tpu.dma_semaphore, #tpu.memory_space<semaphore_mem>>)
      %dma_wait3A = tpu.memref_slice %arg2[%mul3A_2] : memref<5120xi32, #tpu.memory_space<hbm>> -> memref<160xi32, #tpu.memory_space<hbm>>
      %dma_wait3A_778 = tpu.memref_slice %arg2[%mul3A_2] : memref<5120xi32, #tpu.memory_space<hbm>> -> memref<160xi32, #tpu.memory_space<hbm>>
      tpu.wait_dma2 semaphore(%run_scoped3A : memref<!tpu.dma_semaphore, #tpu.memory_space<semaphore_mem>>) src(%dma_wait3A_778 : memref<160xi32, #tpu.memory_space<hbm>>) dst(%arg5 : memref<160xi32, #tpu.memory_space<vmem>>)
      tpu.yield
    }) : () -> ()
    "tpu.region"() ({
      %run_scoped3A = tpu.sem_alloc : memref<!tpu.dma_semaphore, #tpu.memory_space<semaphore_mem>>
      %dma_start3A = tpu.memref_slice %arg3[%mul3A_2] : memref<5120xf32, #tpu.memory_space<hbm>> -> memref<160xf32, #tpu.memory_space<hbm>>
      %dma_start3A_777 = tpu.memref_slice %arg3[%mul3A_2] : memref<5120xf32, #tpu.memory_space<hbm>> -> memref<160xf32, #tpu.memory_space<hbm>>
      tpu.enqueue_dma source(%dma_start3A_777 : memref<160xf32, #tpu.memory_space<hbm>>) target(%arg6 : memref<160xf32, #tpu.memory_space<vmem>>) target_semaphore(%run_scoped3A : memref<!tpu.dma_semaphore, #tpu.memory_space<semaphore_mem>>)
      %dma_wait3A = tpu.memref_slice %arg3[%mul3A_2] : memref<5120xf32, #tpu.memory_space<hbm>> -> memref<160xf32, #tpu.memory_space<hbm>>
      %dma_wait3A_778 = tpu.memref_slice %arg3[%mul3A_2] : memref<5120xf32, #tpu.memory_space<hbm>> -> memref<160xf32, #tpu.memory_space<hbm>>
      tpu.wait_dma2 semaphore(%run_scoped3A : memref<!tpu.dma_semaphore, #tpu.memory_space<semaphore_mem>>) src(%dma_wait3A_778 : memref<160xf32, #tpu.memory_space<hbm>>) dst(%arg6 : memref<160xf32, #tpu.memory_space<vmem>>)
      tpu.yield
    }) : () -> ()
    %broadcast_in_dim3A = arith.constant 0.000000e+00 : f32
    %broadcast_in_dim3A_3 = vector.broadcast %broadcast_in_dim3A : f32 to vector<16xf32>
    %swap3A = arith.constant 0 : index
    %swap3A_4 = tpu.vector_load %arg7[%swap3A] {strides = array<i32>} : memref<2048xf32, #tpu.memory_space<vmem>>, vector<16xf32>,
    %swap3A_5 = vector.shape_cast %swap3A_4 : vector<16xf32> to vector<16xf32>
    %swap3A_6 = vector.shape_cast %broadcast_in_dim3A_3 : vector<16xf32> to vector<16xf32>
    tpu.vector_store %arg7[%swap3A], %swap3A_6 {strides = array<i32>} : memref<2048xf32, #tpu.memory_space<vmem>>, vector<16xf32>,
    %broadcast_in_dim3A_7 = arith.constant 0.000000e+00 : f32
    %broadcast_in_dim3A_8 = vector.broadcast %broadcast_in_dim3A_7 : f32 to vector<16xf32>
    %swap3A_9 = arith.constant 16 : index
    %swap3A_10 = tpu.vector_load %arg7[%swap3A_9] {strides = array<i32>} : memref<2048xf32, #tpu.memory_space<vmem>>, vector<16xf32>,
    %swap3A_11 = vector.shape_cast %swap3A_10 : vector<16xf32> to vector<16xf32>
    %swap3A_12 = vector.shape_cast %broadcast_in_dim3A_8 : vector<16xf32> to vector<16xf32>
    tpu.vector_store %arg7[%swap3A_9], %swap3A_12 {strides = array<i32>} : memref<2048xf32, #tpu.memory_space<vmem>>, vector<16xf32>,
    %broadcast_in_dim3A_13 = arith.constant 0.000000e+00 : f32
    %broadcast_in_dim3A_14 = vector.broadcast %broadcast_in_dim3A_13 : f32 to vector<16xf32>
    %swap3A_15 = arith.constant 32 : index
    %swap3A_16 = tpu.vector_load %arg7[%swap3A_15] {strides = array<i32>} : memref<2048xf32, #tpu.memory_space<vmem>>, vector<16xf32>,
    %swap3A_17 = vector.shape_cast %swap3A_16 : vector<16xf32> to vector<16xf32>
    %swap3A_18 = vector.shape_cast %broadcast_in_dim3A_14 : vector<16xf32> to vector<16xf32>
    tpu.vector_store %arg7[%swap3A_15], %swap3A_18 {strides = array<i32>} : memref<2048xf32, #tpu.memory_space<vmem>>, vector<16xf32>,
    %broadcast_in_dim3A_19 = arith.constant 0.000000e+00 : f32
    %broadcast_in_dim3A_20 = vector.broadcast %broadcast_in_dim3A_19 : f32 to vector<16xf32>
    %swap3A_21 = arith.constant 48 : index
    %swap3A_22 = tpu.vector_load %arg7[%swap3A_21] {strides = array<i32>} : memref<2048xf32, #tpu.memory_space<vmem>>, vector<16xf32>,
    %swap3A_23 = vector.shape_cast %swap3A_22 : vector<16xf32> to vector<16xf32>
    %swap3A_24 = vector.shape_cast %broadcast_in_dim3A_20 : vector<16xf32> to vector<16xf32>
    tpu.vector_store %arg7[%swap3A_21], %swap3A_24 {strides = array<i32>} : memref<2048xf32, #tpu.memory_space<vmem>>, vector<16xf32>,
    %broadcast_in_dim3A_25 = arith.constant 0.000000e+00 : f32
    %broadcast_in_dim3A_26 = vector.broadcast %broadcast_in_dim3A_25 : f32 to vector<16xf32>
    %swap3A_27 = arith.constant 64 : index
    %swap3A_28 = tpu.vector_load %arg7[%swap3A_27] {strides = array<i32>} : memref<2048xf32, #tpu.memory_space<vmem>>, vector<16xf32>,
    %swap3A_29 = vector.shape_cast %swap3A_28 : vector<16xf32> to vector<16xf32>
    %swap3A_30 = vector.shape_cast %broadcast_in_dim3A_26 : vector<16xf32> to vector<16xf32>
    tpu.vector_store %arg7[%swap3A_27], %swap3A_30 {strides = array<i32>} : memref<2048xf32, #tpu.memory_space<vmem>>, vector<16xf32>,
    %broadcast_in_dim3A_31 = arith.constant 0.000000e+00 : f32
    %broadcast_in_dim3A_32 = vector.broadcast %broadcast_in_dim3A_31 : f32 to vector<16xf32>
    %swap3A_33 = arith.constant 80 : index
    %swap3A_34 = tpu.vector_load %arg7[%swap3A_33] {strides = array<i32>} : memref<2048xf32, #tpu.memory_space<vmem>>, vector<16xf32>,
    %swap3A_35 = vector.shape_cast %swap3A_34 : vector<16xf32> to vector<16xf32>
    %swap3A_36 = vector.shape_cast %broadcast_in_dim3A_32 : vector<16xf32> to vector<16xf32>
    tpu.vector_store %arg7[%swap3A_33], %swap3A_36 {strides = array<i32>} : memref<2048xf32, #tpu.memory_space<vmem>>, vector<16xf32>,
    %broadcast_in_dim3A_37 = arith.constant 0.000000e+00 : f32
    %broadcast_in_dim3A_38 = vector.broadcast %broadcast_in_dim3A_37 : f32 to vector<16xf32>
    %swap3A_39 = arith.constant 96 : index
    %swap3A_40 = tpu.vector_load %arg7[%swap3A_39] {strides = array<i32>} : memref<2048xf32, #tpu.memory_space<vmem>>, vector<16xf32>,
    %swap3A_41 = vector.shape_cast %swap3A_40 : vector<16xf32> to vector<16xf32>
    %swap3A_42 = vector.shape_cast %broadcast_in_dim3A_38 : vector<16xf32> to vector<16xf32>
    tpu.vector_store %arg7[%swap3A_39], %swap3A_42 {strides = array<i32>} : memref<2048xf32, #tpu.memory_space<vmem>>, vector<16xf32>,
    %broadcast_in_dim3A_43 = arith.constant 0.000000e+00 : f32
    %broadcast_in_dim3A_44 = vector.broadcast %broadcast_in_dim3A_43 : f32 to vector<16xf32>
    %swap3A_45 = arith.constant 112 : index
    %swap3A_46 = tpu.vector_load %arg7[%swap3A_45] {strides = array<i32>} : memref<2048xf32, #tpu.memory_space<vmem>>, vector<16xf32>,
    %swap3A_47 = vector.shape_cast %swap3A_46 : vector<16xf32> to vector<16xf32>
    %swap3A_48 = vector.shape_cast %broadcast_in_dim3A_44 : vector<16xf32> to vector<16xf32>
    tpu.vector_store %arg7[%swap3A_45], %swap3A_48 {strides = array<i32>} : memref<2048xf32, #tpu.memory_space<vmem>>, vector<16xf32>,
    %broadcast_in_dim3A_49 = arith.constant 0.000000e+00 : f32
    %broadcast_in_dim3A_50 = vector.broadcast %broadcast_in_dim3A_49 : f32 to vector<16xf32>
    %swap3A_51 = arith.constant 128 : index
    %swap3A_52 = tpu.vector_load %arg7[%swap3A_51] {strides = array<i32>} : memref<2048xf32, #tpu.memory_space<vmem>>, vector<16xf32>,
    %swap3A_53 = vector.shape_cast %swap3A_52 : vector<16xf32> to vector<16xf32>
    %swap3A_54 = vector.shape_cast %broadcast_in_dim3A_50 : vector<16xf32> to vector<16xf32>
    tpu.vector_store %arg7[%swap3A_51], %swap3A_54 {strides = array<i32>} : memref<2048xf32, #tpu.memory_space<vmem>>, vector<16xf32>,
    %broadcast_in_dim3A_55 = arith.constant 0.000000e+00 : f32
    %broadcast_in_dim3A_56 = vector.broadcast %broadcast_in_dim3A_55 : f32 to vector<16xf32>
    %swap3A_57 = arith.constant 144 : index
    %swap3A_58 = tpu.vector_load %arg7[%swap3A_57] {strides = array<i32>} : memref<2048xf32, #tpu.memory_space<vmem>>, vector<16xf32>,
    %swap3A_59 = vector.shape_cast %swap3A_58 : vector<16xf32> to vector<16xf32>
    %swap3A_60 = vector.shape_cast %broadcast_in_dim3A_56 : vector<16xf32> to vector<16xf32>
    tpu.vector_store %arg7[%swap3A_57], %swap3A_60 {strides = array<i32>} : memref<2048xf32, #tpu.memory_space<vmem>>, vector<16xf32>,
    %broadcast_in_dim3A_61 = arith.constant 0.000000e+00 : f32
    %broadcast_in_dim3A_62 = vector.broadcast %broadcast_in_dim3A_61 : f32 to vector<16xf32>
    %swap3A_63 = arith.constant 160 : index
    %swap3A_64 = tpu.vector_load %arg7[%swap3A_63] {strides = array<i32>} : memref<2048xf32, #tpu.memory_space<vmem>>, vector<16xf32>,
    %swap3A_65 = vector.shape_cast %swap3A_64 : vector<16xf32> to vector<16xf32>
    %swap3A_66 = vector.shape_cast %broadcast_in_dim3A_62 : vector<16xf32> to vector<16xf32>
    tpu.vector_store %arg7[%swap3A_63], %swap3A_66 {strides = array<i32>} : memref<2048xf32, #tpu.memory_space<vmem>>, vector<16xf32>,
    %broadcast_in_dim3A_67 = arith.constant 0.000000e+00 : f32
    %broadcast_in_dim3A_68 = vector.broadcast %broadcast_in_dim3A_67 : f32 to vector<16xf32>
    %swap3A_69 = arith.constant 176 : index
    %swap3A_70 = tpu.vector_load %arg7[%swap3A_69] {strides = array<i32>} : memref<2048xf32, #tpu.memory_space<vmem>>, vector<16xf32>,
    %swap3A_71 = vector.shape_cast %swap3A_70 : vector<16xf32> to vector<16xf32>
    %swap3A_72 = vector.shape_cast %broadcast_in_dim3A_68 : vector<16xf32> to vector<16xf32>
    tpu.vector_store %arg7[%swap3A_69], %swap3A_72 {strides = array<i32>} : memref<2048xf32, #tpu.memory_space<vmem>>, vector<16xf32>,
    %broadcast_in_dim3A_73 = arith.constant 0.000000e+00 : f32
    %broadcast_in_dim3A_74 = vector.broadcast %broadcast_in_dim3A_73 : f32 to vector<16xf32>
    %swap3A_75 = arith.constant 192 : index
    %swap3A_76 = tpu.vector_load %arg7[%swap3A_75] {strides = array<i32>} : memref<2048xf32, #tpu.memory_space<vmem>>, vector<16xf32>,
    %swap3A_77 = vector.shape_cast %swap3A_76 : vector<16xf32> to vector<16xf32>
    %swap3A_78 = vector.shape_cast %broadcast_in_dim3A_74 : vector<16xf32> to vector<16xf32>
    tpu.vector_store %arg7[%swap3A_75], %swap3A_78 {strides = array<i32>} : memref<2048xf32, #tpu.memory_space<vmem>>, vector<16xf32>,
    %broadcast_in_dim3A_79 = arith.constant 0.000000e+00 : f32
    %broadcast_in_dim3A_80 = vector.broadcast %broadcast_in_dim3A_79 : f32 to vector<16xf32>
    %swap3A_81 = arith.constant 208 : index
    %swap3A_82 = tpu.vector_load %arg7[%swap3A_81] {strides = array<i32>} : memref<2048xf32, #tpu.memory_space<vmem>>, vector<16xf32>,
    %swap3A_83 = vector.shape_cast %swap3A_82 : vector<16xf32> to vector<16xf32>
    %swap3A_84 = vector.shape_cast %broadcast_in_dim3A_80 : vector<16xf32> to vector<16xf32>
    tpu.vector_store %arg7[%swap3A_81], %swap3A_84 {strides = array<i32>} : memref<2048xf32, #tpu.memory_space<vmem>>, vector<16xf32>,
    %broadcast_in_dim3A_85 = arith.constant 0.000000e+00 : f32
    %broadcast_in_dim3A_86 = vector.broadcast %broadcast_in_dim3A_85 : f32 to vector<16xf32>
    %swap3A_87 = arith.constant 224 : index
    %swap3A_88 = tpu.vector_load %arg7[%swap3A_87] {strides = array<i32>} : memref<2048xf32, #tpu.memory_space<vmem>>, vector<16xf32>,
    %swap3A_89 = vector.shape_cast %swap3A_88 : vector<16xf32> to vector<16xf32>
    %swap3A_90 = vector.shape_cast %broadcast_in_dim3A_86 : vector<16xf32> to vector<16xf32>
    tpu.vector_store %arg7[%swap3A_87], %swap3A_90 {strides = array<i32>} : memref<2048xf32, #tpu.memory_space<vmem>>, vector<16xf32>,
    %broadcast_in_dim3A_91 = arith.constant 0.000000e+00 : f32
    %broadcast_in_dim3A_92 = vector.broadcast %broadcast_in_dim3A_91 : f32 to vector<16xf32>
    %swap3A_93 = arith.constant 240 : index
    %swap3A_94 = tpu.vector_load %arg7[%swap3A_93] {strides = array<i32>} : memref<2048xf32, #tpu.memory_space<vmem>>, vector<16xf32>,
    %swap3A_95 = vector.shape_cast %swap3A_94 : vector<16xf32> to vector<16xf32>
    %swap3A_96 = vector.shape_cast %broadcast_in_dim3A_92 : vector<16xf32> to vector<16xf32>
    tpu.vector_store %arg7[%swap3A_93], %swap3A_96 {strides = array<i32>} : memref<2048xf32, #tpu.memory_space<vmem>>, vector<16xf32>,
    %broadcast_in_dim3A_97 = arith.constant 0.000000e+00 : f32
    %broadcast_in_dim3A_98 = vector.broadcast %broadcast_in_dim3A_97 : f32 to vector<16xf32>
    %swap3A_99 = arith.constant 256 : index
    %swap3A_100 = tpu.vector_load %arg7[%swap3A_99] {strides = array<i32>} : memref<2048xf32, #tpu.memory_space<vmem>>, vector<16xf32>,
    %swap3A_101 = vector.shape_cast %swap3A_100 : vector<16xf32> to vector<16xf32>
    %swap3A_102 = vector.shape_cast %broadcast_in_dim3A_98 : vector<16xf32> to vector<16xf32>
    tpu.vector_store %arg7[%swap3A_99], %swap3A_102 {strides = array<i32>} : memref<2048xf32, #tpu.memory_space<vmem>>, vector<16xf32>,
    %broadcast_in_dim3A_103 = arith.constant 0.000000e+00 : f32
    %broadcast_in_dim3A_104 = vector.broadcast %broadcast_in_dim3A_103 : f32 to vector<16xf32>
    %swap3A_105 = arith.constant 272 : index
    %swap3A_106 = tpu.vector_load %arg7[%swap3A_105] {strides = array<i32>} : memref<2048xf32, #tpu.memory_space<vmem>>, vector<16xf32>,
    %swap3A_107 = vector.shape_cast %swap3A_106 : vector<16xf32> to vector<16xf32>
    %swap3A_108 = vector.shape_cast %broadcast_in_dim3A_104 : vector<16xf32> to vector<16xf32>
    tpu.vector_store %arg7[%swap3A_105], %swap3A_108 {strides = array<i32>} : memref<2048xf32, #tpu.memory_space<vmem>>, vector<16xf32>,
    %broadcast_in_dim3A_109 = arith.constant 0.000000e+00 : f32
    %broadcast_in_dim3A_110 = vector.broadcast %broadcast_in_dim3A_109 : f32 to vector<16xf32>
    %swap3A_111 = arith.constant 288 : index
    %swap3A_112 = tpu.vector_load %arg7[%swap3A_111] {strides = array<i32>} : memref<2048xf32, #tpu.memory_space<vmem>>, vector<16xf32>,
    %swap3A_113 = vector.shape_cast %swap3A_112 : vector<16xf32> to vector<16xf32>
    %swap3A_114 = vector.shape_cast %broadcast_in_dim3A_110 : vector<16xf32> to vector<16xf32>
    tpu.vector_store %arg7[%swap3A_111], %swap3A_114 {strides = array<i32>} : memref<2048xf32, #tpu.memory_space<vmem>>, vector<16xf32>,
    %broadcast_in_dim3A_115 = arith.constant 0.000000e+00 : f32
    %broadcast_in_dim3A_116 = vector.broadcast %broadcast_in_dim3A_115 : f32 to vector<16xf32>
    %swap3A_117 = arith.constant 304 : index
    %swap3A_118 = tpu.vector_load %arg7[%swap3A_117] {strides = array<i32>} : memref<2048xf32, #tpu.memory_space<vmem>>, vector<16xf32>,
    %swap3A_119 = vector.shape_cast %swap3A_118 : vector<16xf32> to vector<16xf32>
    %swap3A_120 = vector.shape_cast %broadcast_in_dim3A_116 : vector<16xf32> to vector<16xf32>
    tpu.vector_store %arg7[%swap3A_117], %swap3A_120 {strides = array<i32>} : memref<2048xf32, #tpu.memory_space<vmem>>, vector<16xf32>,
    %broadcast_in_dim3A_121 = arith.constant 0.000000e+00 : f32
    %broadcast_in_dim3A_122 = vector.broadcast %broadcast_in_dim3A_121 : f32 to vector<16xf32>
    %swap3A_123 = arith.constant 320 : index
    %swap3A_124 = tpu.vector_load %arg7[%swap3A_123] {strides = array<i32>} : memref<2048xf32, #tpu.memory_space<vmem>>, vector<16xf32>,
    %swap3A_125 = vector.shape_cast %swap3A_124 : vector<16xf32> to vector<16xf32>
    %swap3A_126 = vector.shape_cast %broadcast_in_dim3A_122 : vector<16xf32> to vector<16xf32>
    tpu.vector_store %arg7[%swap3A_123], %swap3A_126 {strides = array<i32>} : memref<2048xf32, #tpu.memory_space<vmem>>, vector<16xf32>,
    %broadcast_in_dim3A_127 = arith.constant 0.000000e+00 : f32
    %broadcast_in_dim3A_128 = vector.broadcast %broadcast_in_dim3A_127 : f32 to vector<16xf32>
    %swap3A_129 = arith.constant 336 : index
    %swap3A_130 = tpu.vector_load %arg7[%swap3A_129] {strides = array<i32>} : memref<2048xf32, #tpu.memory_space<vmem>>, vector<16xf32>,
    %swap3A_131 = vector.shape_cast %swap3A_130 : vector<16xf32> to vector<16xf32>
    %swap3A_132 = vector.shape_cast %broadcast_in_dim3A_128 : vector<16xf32> to vector<16xf32>
    tpu.vector_store %arg7[%swap3A_129], %swap3A_132 {strides = array<i32>} : memref<2048xf32, #tpu.memory_space<vmem>>, vector<16xf32>,
    %broadcast_in_dim3A_133 = arith.constant 0.000000e+00 : f32
    %broadcast_in_dim3A_134 = vector.broadcast %broadcast_in_dim3A_133 : f32 to vector<16xf32>
    %swap3A_135 = arith.constant 352 : index
    %swap3A_136 = tpu.vector_load %arg7[%swap3A_135] {strides = array<i32>} : memref<2048xf32, #tpu.memory_space<vmem>>, vector<16xf32>,
    %swap3A_137 = vector.shape_cast %swap3A_136 : vector<16xf32> to vector<16xf32>
    %swap3A_138 = vector.shape_cast %broadcast_in_dim3A_134 : vector<16xf32> to vector<16xf32>
    tpu.vector_store %arg7[%swap3A_135], %swap3A_138 {strides = array<i32>} : memref<2048xf32, #tpu.memory_space<vmem>>, vector<16xf32>,
    %broadcast_in_dim3A_139 = arith.constant 0.000000e+00 : f32
    %broadcast_in_dim3A_140 = vector.broadcast %broadcast_in_dim3A_139 : f32 to vector<16xf32>
    %swap3A_141 = arith.constant 368 : index
    %swap3A_142 = tpu.vector_load %arg7[%swap3A_141] {strides = array<i32>} : memref<2048xf32, #tpu.memory_space<vmem>>, vector<16xf32>,
    %swap3A_143 = vector.shape_cast %swap3A_142 : vector<16xf32> to vector<16xf32>
    %swap3A_144 = vector.shape_cast %broadcast_in_dim3A_140 : vector<16xf32> to vector<16xf32>
    tpu.vector_store %arg7[%swap3A_141], %swap3A_144 {strides = array<i32>} : memref<2048xf32, #tpu.memory_space<vmem>>, vector<16xf32>,
    %broadcast_in_dim3A_145 = arith.constant 0.000000e+00 : f32
    %broadcast_in_dim3A_146 = vector.broadcast %broadcast_in_dim3A_145 : f32 to vector<16xf32>
    %swap3A_147 = arith.constant 384 : index
    %swap3A_148 = tpu.vector_load %arg7[%swap3A_147] {strides = array<i32>} : memref<2048xf32, #tpu.memory_space<vmem>>, vector<16xf32>,
    %swap3A_149 = vector.shape_cast %swap3A_148 : vector<16xf32> to vector<16xf32>
    %swap3A_150 = vector.shape_cast %broadcast_in_dim3A_146 : vector<16xf32> to vector<16xf32>
    tpu.vector_store %arg7[%swap3A_147], %swap3A_150 {strides = array<i32>} : memref<2048xf32, #tpu.memory_space<vmem>>, vector<16xf32>,
    %broadcast_in_dim3A_151 = arith.constant 0.000000e+00 : f32
    %broadcast_in_dim3A_152 = vector.broadcast %broadcast_in_dim3A_151 : f32 to vector<16xf32>
    %swap3A_153 = arith.constant 400 : index
    %swap3A_154 = tpu.vector_load %arg7[%swap3A_153] {strides = array<i32>} : memref<2048xf32, #tpu.memory_space<vmem>>, vector<16xf32>,
    %swap3A_155 = vector.shape_cast %swap3A_154 : vector<16xf32> to vector<16xf32>
    %swap3A_156 = vector.shape_cast %broadcast_in_dim3A_152 : vector<16xf32> to vector<16xf32>
    tpu.vector_store %arg7[%swap3A_153], %swap3A_156 {strides = array<i32>} : memref<2048xf32, #tpu.memory_space<vmem>>, vector<16xf32>,
    %broadcast_in_dim3A_157 = arith.constant 0.000000e+00 : f32
    %broadcast_in_dim3A_158 = vector.broadcast %broadcast_in_dim3A_157 : f32 to vector<16xf32>
    %swap3A_159 = arith.constant 416 : index
    %swap3A_160 = tpu.vector_load %arg7[%swap3A_159] {strides = array<i32>} : memref<2048xf32, #tpu.memory_space<vmem>>, vector<16xf32>,
    %swap3A_161 = vector.shape_cast %swap3A_160 : vector<16xf32> to vector<16xf32>
    %swap3A_162 = vector.shape_cast %broadcast_in_dim3A_158 : vector<16xf32> to vector<16xf32>
    tpu.vector_store %arg7[%swap3A_159], %swap3A_162 {strides = array<i32>} : memref<2048xf32, #tpu.memory_space<vmem>>, vector<16xf32>,
    %broadcast_in_dim3A_163 = arith.constant 0.000000e+00 : f32
    %broadcast_in_dim3A_164 = vector.broadcast %broadcast_in_dim3A_163 : f32 to vector<16xf32>
    %swap3A_165 = arith.constant 432 : index
    %swap3A_166 = tpu.vector_load %arg7[%swap3A_165] {strides = array<i32>} : memref<2048xf32, #tpu.memory_space<vmem>>, vector<16xf32>,
    %swap3A_167 = vector.shape_cast %swap3A_166 : vector<16xf32> to vector<16xf32>
    %swap3A_168 = vector.shape_cast %broadcast_in_dim3A_164 : vector<16xf32> to vector<16xf32>
    tpu.vector_store %arg7[%swap3A_165], %swap3A_168 {strides = array<i32>} : memref<2048xf32, #tpu.memory_space<vmem>>, vector<16xf32>,
    %broadcast_in_dim3A_169 = arith.constant 0.000000e+00 : f32
    %broadcast_in_dim3A_170 = vector.broadcast %broadcast_in_dim3A_169 : f32 to vector<16xf32>
    %swap3A_171 = arith.constant 448 : index
    %swap3A_172 = tpu.vector_load %arg7[%swap3A_171] {strides = array<i32>} : memref<2048xf32, #tpu.memory_space<vmem>>, vector<16xf32>,
    %swap3A_173 = vector.shape_cast %swap3A_172 : vector<16xf32> to vector<16xf32>
    %swap3A_174 = vector.shape_cast %broadcast_in_dim3A_170 : vector<16xf32> to vector<16xf32>
    tpu.vector_store %arg7[%swap3A_171], %swap3A_174 {strides = array<i32>} : memref<2048xf32, #tpu.memory_space<vmem>>, vector<16xf32>,
    %broadcast_in_dim3A_175 = arith.constant 0.000000e+00 : f32
    %broadcast_in_dim3A_176 = vector.broadcast %broadcast_in_dim3A_175 : f32 to vector<16xf32>
    %swap3A_177 = arith.constant 464 : index
    %swap3A_178 = tpu.vector_load %arg7[%swap3A_177] {strides = array<i32>} : memref<2048xf32, #tpu.memory_space<vmem>>, vector<16xf32>,
    %swap3A_179 = vector.shape_cast %swap3A_178 : vector<16xf32> to vector<16xf32>
    %swap3A_180 = vector.shape_cast %broadcast_in_dim3A_176 : vector<16xf32> to vector<16xf32>
    tpu.vector_store %arg7[%swap3A_177], %swap3A_180 {strides = array<i32>} : memref<2048xf32, #tpu.memory_space<vmem>>, vector<16xf32>,
    %broadcast_in_dim3A_181 = arith.constant 0.000000e+00 : f32
    %broadcast_in_dim3A_182 = vector.broadcast %broadcast_in_dim3A_181 : f32 to vector<16xf32>
    %swap3A_183 = arith.constant 480 : index
    %swap3A_184 = tpu.vector_load %arg7[%swap3A_183] {strides = array<i32>} : memref<2048xf32, #tpu.memory_space<vmem>>, vector<16xf32>,
    %swap3A_185 = vector.shape_cast %swap3A_184 : vector<16xf32> to vector<16xf32>
    %swap3A_186 = vector.shape_cast %broadcast_in_dim3A_182 : vector<16xf32> to vector<16xf32>
    tpu.vector_store %arg7[%swap3A_183], %swap3A_186 {strides = array<i32>} : memref<2048xf32, #tpu.memory_space<vmem>>, vector<16xf32>,
    %broadcast_in_dim3A_187 = arith.constant 0.000000e+00 : f32
    %broadcast_in_dim3A_188 = vector.broadcast %broadcast_in_dim3A_187 : f32 to vector<16xf32>
    %swap3A_189 = arith.constant 496 : index
    %swap3A_190 = tpu.vector_load %arg7[%swap3A_189] {strides = array<i32>} : memref<2048xf32, #tpu.memory_space<vmem>>, vector<16xf32>,
    %swap3A_191 = vector.shape_cast %swap3A_190 : vector<16xf32> to vector<16xf32>
    %swap3A_192 = vector.shape_cast %broadcast_in_dim3A_188 : vector<16xf32> to vector<16xf32>
    tpu.vector_store %arg7[%swap3A_189], %swap3A_192 {strides = array<i32>} : memref<2048xf32, #tpu.memory_space<vmem>>, vector<16xf32>,
    %broadcast_in_dim3A_193 = arith.constant 0.000000e+00 : f32
    %broadcast_in_dim3A_194 = vector.broadcast %broadcast_in_dim3A_193 : f32 to vector<16xf32>
    %swap3A_195 = arith.constant 512 : index
    %swap3A_196 = tpu.vector_load %arg7[%swap3A_195] {strides = array<i32>} : memref<2048xf32, #tpu.memory_space<vmem>>, vector<16xf32>,
    %swap3A_197 = vector.shape_cast %swap3A_196 : vector<16xf32> to vector<16xf32>
    %swap3A_198 = vector.shape_cast %broadcast_in_dim3A_194 : vector<16xf32> to vector<16xf32>
    tpu.vector_store %arg7[%swap3A_195], %swap3A_198 {strides = array<i32>} : memref<2048xf32, #tpu.memory_space<vmem>>, vector<16xf32>,
    %broadcast_in_dim3A_199 = arith.constant 0.000000e+00 : f32
    %broadcast_in_dim3A_200 = vector.broadcast %broadcast_in_dim3A_199 : f32 to vector<16xf32>
    %swap3A_201 = arith.constant 528 : index
    %swap3A_202 = tpu.vector_load %arg7[%swap3A_201] {strides = array<i32>} : memref<2048xf32, #tpu.memory_space<vmem>>, vector<16xf32>,
    %swap3A_203 = vector.shape_cast %swap3A_202 : vector<16xf32> to vector<16xf32>
    %swap3A_204 = vector.shape_cast %broadcast_in_dim3A_200 : vector<16xf32> to vector<16xf32>
    tpu.vector_store %arg7[%swap3A_201], %swap3A_204 {strides = array<i32>} : memref<2048xf32, #tpu.memory_space<vmem>>, vector<16xf32>,
    %broadcast_in_dim3A_205 = arith.constant 0.000000e+00 : f32
    %broadcast_in_dim3A_206 = vector.broadcast %broadcast_in_dim3A_205 : f32 to vector<16xf32>
    %swap3A_207 = arith.constant 544 : index
    %swap3A_208 = tpu.vector_load %arg7[%swap3A_207] {strides = array<i32>} : memref<2048xf32, #tpu.memory_space<vmem>>, vector<16xf32>,
    %swap3A_209 = vector.shape_cast %swap3A_208 : vector<16xf32> to vector<16xf32>
    %swap3A_210 = vector.shape_cast %broadcast_in_dim3A_206 : vector<16xf32> to vector<16xf32>
    tpu.vector_store %arg7[%swap3A_207], %swap3A_210 {strides = array<i32>} : memref<2048xf32, #tpu.memory_space<vmem>>, vector<16xf32>,
    %broadcast_in_dim3A_211 = arith.constant 0.000000e+00 : f32
    %broadcast_in_dim3A_212 = vector.broadcast %broadcast_in_dim3A_211 : f32 to vector<16xf32>
    %swap3A_213 = arith.constant 560 : index
    %swap3A_214 = tpu.vector_load %arg7[%swap3A_213] {strides = array<i32>} : memref<2048xf32, #tpu.memory_space<vmem>>, vector<16xf32>,
    %swap3A_215 = vector.shape_cast %swap3A_214 : vector<16xf32> to vector<16xf32>
    %swap3A_216 = vector.shape_cast %broadcast_in_dim3A_212 : vector<16xf32> to vector<16xf32>
    tpu.vector_store %arg7[%swap3A_213], %swap3A_216 {strides = array<i32>} : memref<2048xf32, #tpu.memory_space<vmem>>, vector<16xf32>,
    %broadcast_in_dim3A_217 = arith.constant 0.000000e+00 : f32
    %broadcast_in_dim3A_218 = vector.broadcast %broadcast_in_dim3A_217 : f32 to vector<16xf32>
    %swap3A_219 = arith.constant 576 : index
    %swap3A_220 = tpu.vector_load %arg7[%swap3A_219] {strides = array<i32>} : memref<2048xf32, #tpu.memory_space<vmem>>, vector<16xf32>,
    %swap3A_221 = vector.shape_cast %swap3A_220 : vector<16xf32> to vector<16xf32>
    %swap3A_222 = vector.shape_cast %broadcast_in_dim3A_218 : vector<16xf32> to vector<16xf32>
    tpu.vector_store %arg7[%swap3A_219], %swap3A_222 {strides = array<i32>} : memref<2048xf32, #tpu.memory_space<vmem>>, vector<16xf32>,
    %broadcast_in_dim3A_223 = arith.constant 0.000000e+00 : f32
    %broadcast_in_dim3A_224 = vector.broadcast %broadcast_in_dim3A_223 : f32 to vector<16xf32>
    %swap3A_225 = arith.constant 592 : index
    %swap3A_226 = tpu.vector_load %arg7[%swap3A_225] {strides = array<i32>} : memref<2048xf32, #tpu.memory_space<vmem>>, vector<16xf32>,
    %swap3A_227 = vector.shape_cast %swap3A_226 : vector<16xf32> to vector<16xf32>
    %swap3A_228 = vector.shape_cast %broadcast_in_dim3A_224 : vector<16xf32> to vector<16xf32>
    tpu.vector_store %arg7[%swap3A_225], %swap3A_228 {strides = array<i32>} : memref<2048xf32, #tpu.memory_space<vmem>>, vector<16xf32>,
    %broadcast_in_dim3A_229 = arith.constant 0.000000e+00 : f32
    %broadcast_in_dim3A_230 = vector.broadcast %broadcast_in_dim3A_229 : f32 to vector<16xf32>
    %swap3A_231 = arith.constant 608 : index
    %swap3A_232 = tpu.vector_load %arg7[%swap3A_231] {strides = array<i32>} : memref<2048xf32, #tpu.memory_space<vmem>>, vector<16xf32>,
    %swap3A_233 = vector.shape_cast %swap3A_232 : vector<16xf32> to vector<16xf32>
    %swap3A_234 = vector.shape_cast %broadcast_in_dim3A_230 : vector<16xf32> to vector<16xf32>
    tpu.vector_store %arg7[%swap3A_231], %swap3A_234 {strides = array<i32>} : memref<2048xf32, #tpu.memory_space<vmem>>, vector<16xf32>,
    %broadcast_in_dim3A_235 = arith.constant 0.000000e+00 : f32
    %broadcast_in_dim3A_236 = vector.broadcast %broadcast_in_dim3A_235 : f32 to vector<16xf32>
    %swap3A_237 = arith.constant 624 : index
    %swap3A_238 = tpu.vector_load %arg7[%swap3A_237] {strides = array<i32>} : memref<2048xf32, #tpu.memory_space<vmem>>, vector<16xf32>,
    %swap3A_239 = vector.shape_cast %swap3A_238 : vector<16xf32> to vector<16xf32>
    %swap3A_240 = vector.shape_cast %broadcast_in_dim3A_236 : vector<16xf32> to vector<16xf32>
    tpu.vector_store %arg7[%swap3A_237], %swap3A_240 {strides = array<i32>} : memref<2048xf32, #tpu.memory_space<vmem>>, vector<16xf32>,
    %broadcast_in_dim3A_241 = arith.constant 0.000000e+00 : f32
    %broadcast_in_dim3A_242 = vector.broadcast %broadcast_in_dim3A_241 : f32 to vector<16xf32>
    %swap3A_243 = arith.constant 640 : index
    %swap3A_244 = tpu.vector_load %arg7[%swap3A_243] {strides = array<i32>} : memref<2048xf32, #tpu.memory_space<vmem>>, vector<16xf32>,
    %swap3A_245 = vector.shape_cast %swap3A_244 : vector<16xf32> to vector<16xf32>
    %swap3A_246 = vector.shape_cast %broadcast_in_dim3A_242 : vector<16xf32> to vector<16xf32>
    tpu.vector_store %arg7[%swap3A_243], %swap3A_246 {strides = array<i32>} : memref<2048xf32, #tpu.memory_space<vmem>>, vector<16xf32>,
    %broadcast_in_dim3A_247 = arith.constant 0.000000e+00 : f32
    %broadcast_in_dim3A_248 = vector.broadcast %broadcast_in_dim3A_247 : f32 to vector<16xf32>
    %swap3A_249 = arith.constant 656 : index
    %swap3A_250 = tpu.vector_load %arg7[%swap3A_249] {strides = array<i32>} : memref<2048xf32, #tpu.memory_space<vmem>>, vector<16xf32>,
    %swap3A_251 = vector.shape_cast %swap3A_250 : vector<16xf32> to vector<16xf32>
    %swap3A_252 = vector.shape_cast %broadcast_in_dim3A_248 : vector<16xf32> to vector<16xf32>
    tpu.vector_store %arg7[%swap3A_249], %swap3A_252 {strides = array<i32>} : memref<2048xf32, #tpu.memory_space<vmem>>, vector<16xf32>,
    %broadcast_in_dim3A_253 = arith.constant 0.000000e+00 : f32
    %broadcast_in_dim3A_254 = vector.broadcast %broadcast_in_dim3A_253 : f32 to vector<16xf32>
    %swap3A_255 = arith.constant 672 : index
    %swap3A_256 = tpu.vector_load %arg7[%swap3A_255] {strides = array<i32>} : memref<2048xf32, #tpu.memory_space<vmem>>, vector<16xf32>,
    %swap3A_257 = vector.shape_cast %swap3A_256 : vector<16xf32> to vector<16xf32>
    %swap3A_258 = vector.shape_cast %broadcast_in_dim3A_254 : vector<16xf32> to vector<16xf32>
    tpu.vector_store %arg7[%swap3A_255], %swap3A_258 {strides = array<i32>} : memref<2048xf32, #tpu.memory_space<vmem>>, vector<16xf32>,
    %broadcast_in_dim3A_259 = arith.constant 0.000000e+00 : f32
    %broadcast_in_dim3A_260 = vector.broadcast %broadcast_in_dim3A_259 : f32 to vector<16xf32>
    %swap3A_261 = arith.constant 688 : index
    %swap3A_262 = tpu.vector_load %arg7[%swap3A_261] {strides = array<i32>} : memref<2048xf32, #tpu.memory_space<vmem>>, vector<16xf32>,
    %swap3A_263 = vector.shape_cast %swap3A_262 : vector<16xf32> to vector<16xf32>
    %swap3A_264 = vector.shape_cast %broadcast_in_dim3A_260 : vector<16xf32> to vector<16xf32>
    tpu.vector_store %arg7[%swap3A_261], %swap3A_264 {strides = array<i32>} : memref<2048xf32, #tpu.memory_space<vmem>>, vector<16xf32>,
    %broadcast_in_dim3A_265 = arith.constant 0.000000e+00 : f32
    %broadcast_in_dim3A_266 = vector.broadcast %broadcast_in_dim3A_265 : f32 to vector<16xf32>
    %swap3A_267 = arith.constant 704 : index
    %swap3A_268 = tpu.vector_load %arg7[%swap3A_267] {strides = array<i32>} : memref<2048xf32, #tpu.memory_space<vmem>>, vector<16xf32>,
    %swap3A_269 = vector.shape_cast %swap3A_268 : vector<16xf32> to vector<16xf32>
    %swap3A_270 = vector.shape_cast %broadcast_in_dim3A_266 : vector<16xf32> to vector<16xf32>
    tpu.vector_store %arg7[%swap3A_267], %swap3A_270 {strides = array<i32>} : memref<2048xf32, #tpu.memory_space<vmem>>, vector<16xf32>,
    %broadcast_in_dim3A_271 = arith.constant 0.000000e+00 : f32
    %broadcast_in_dim3A_272 = vector.broadcast %broadcast_in_dim3A_271 : f32 to vector<16xf32>
    %swap3A_273 = arith.constant 720 : index
    %swap3A_274 = tpu.vector_load %arg7[%swap3A_273] {strides = array<i32>} : memref<2048xf32, #tpu.memory_space<vmem>>, vector<16xf32>,
    %swap3A_275 = vector.shape_cast %swap3A_274 : vector<16xf32> to vector<16xf32>
    %swap3A_276 = vector.shape_cast %broadcast_in_dim3A_272 : vector<16xf32> to vector<16xf32>
    tpu.vector_store %arg7[%swap3A_273], %swap3A_276 {strides = array<i32>} : memref<2048xf32, #tpu.memory_space<vmem>>, vector<16xf32>,
    %broadcast_in_dim3A_277 = arith.constant 0.000000e+00 : f32
    %broadcast_in_dim3A_278 = vector.broadcast %broadcast_in_dim3A_277 : f32 to vector<16xf32>
    %swap3A_279 = arith.constant 736 : index
    %swap3A_280 = tpu.vector_load %arg7[%swap3A_279] {strides = array<i32>} : memref<2048xf32, #tpu.memory_space<vmem>>, vector<16xf32>,
    %swap3A_281 = vector.shape_cast %swap3A_280 : vector<16xf32> to vector<16xf32>
    %swap3A_282 = vector.shape_cast %broadcast_in_dim3A_278 : vector<16xf32> to vector<16xf32>
    tpu.vector_store %arg7[%swap3A_279], %swap3A_282 {strides = array<i32>} : memref<2048xf32, #tpu.memory_space<vmem>>, vector<16xf32>,
    %broadcast_in_dim3A_283 = arith.constant 0.000000e+00 : f32
    %broadcast_in_dim3A_284 = vector.broadcast %broadcast_in_dim3A_283 : f32 to vector<16xf32>
    %swap3A_285 = arith.constant 752 : index
    %swap3A_286 = tpu.vector_load %arg7[%swap3A_285] {strides = array<i32>} : memref<2048xf32, #tpu.memory_space<vmem>>, vector<16xf32>,
    %swap3A_287 = vector.shape_cast %swap3A_286 : vector<16xf32> to vector<16xf32>
    %swap3A_288 = vector.shape_cast %broadcast_in_dim3A_284 : vector<16xf32> to vector<16xf32>
    tpu.vector_store %arg7[%swap3A_285], %swap3A_288 {strides = array<i32>} : memref<2048xf32, #tpu.memory_space<vmem>>, vector<16xf32>,
    %broadcast_in_dim3A_289 = arith.constant 0.000000e+00 : f32
    %broadcast_in_dim3A_290 = vector.broadcast %broadcast_in_dim3A_289 : f32 to vector<16xf32>
    %swap3A_291 = arith.constant 768 : index
    %swap3A_292 = tpu.vector_load %arg7[%swap3A_291] {strides = array<i32>} : memref<2048xf32, #tpu.memory_space<vmem>>, vector<16xf32>,
    %swap3A_293 = vector.shape_cast %swap3A_292 : vector<16xf32> to vector<16xf32>
    %swap3A_294 = vector.shape_cast %broadcast_in_dim3A_290 : vector<16xf32> to vector<16xf32>
    tpu.vector_store %arg7[%swap3A_291], %swap3A_294 {strides = array<i32>} : memref<2048xf32, #tpu.memory_space<vmem>>, vector<16xf32>,
    %broadcast_in_dim3A_295 = arith.constant 0.000000e+00 : f32
    %broadcast_in_dim3A_296 = vector.broadcast %broadcast_in_dim3A_295 : f32 to vector<16xf32>
    %swap3A_297 = arith.constant 784 : index
    %swap3A_298 = tpu.vector_load %arg7[%swap3A_297] {strides = array<i32>} : memref<2048xf32, #tpu.memory_space<vmem>>, vector<16xf32>,
    %swap3A_299 = vector.shape_cast %swap3A_298 : vector<16xf32> to vector<16xf32>
    %swap3A_300 = vector.shape_cast %broadcast_in_dim3A_296 : vector<16xf32> to vector<16xf32>
    tpu.vector_store %arg7[%swap3A_297], %swap3A_300 {strides = array<i32>} : memref<2048xf32, #tpu.memory_space<vmem>>, vector<16xf32>,
    %broadcast_in_dim3A_301 = arith.constant 0.000000e+00 : f32
    %broadcast_in_dim3A_302 = vector.broadcast %broadcast_in_dim3A_301 : f32 to vector<16xf32>
    %swap3A_303 = arith.constant 800 : index
    %swap3A_304 = tpu.vector_load %arg7[%swap3A_303] {strides = array<i32>} : memref<2048xf32, #tpu.memory_space<vmem>>, vector<16xf32>,
    %swap3A_305 = vector.shape_cast %swap3A_304 : vector<16xf32> to vector<16xf32>
    %swap3A_306 = vector.shape_cast %broadcast_in_dim3A_302 : vector<16xf32> to vector<16xf32>
    tpu.vector_store %arg7[%swap3A_303], %swap3A_306 {strides = array<i32>} : memref<2048xf32, #tpu.memory_space<vmem>>, vector<16xf32>,
    %broadcast_in_dim3A_307 = arith.constant 0.000000e+00 : f32
    %broadcast_in_dim3A_308 = vector.broadcast %broadcast_in_dim3A_307 : f32 to vector<16xf32>
    %swap3A_309 = arith.constant 816 : index
    %swap3A_310 = tpu.vector_load %arg7[%swap3A_309] {strides = array<i32>} : memref<2048xf32, #tpu.memory_space<vmem>>, vector<16xf32>,
    %swap3A_311 = vector.shape_cast %swap3A_310 : vector<16xf32> to vector<16xf32>
    %swap3A_312 = vector.shape_cast %broadcast_in_dim3A_308 : vector<16xf32> to vector<16xf32>
    tpu.vector_store %arg7[%swap3A_309], %swap3A_312 {strides = array<i32>} : memref<2048xf32, #tpu.memory_space<vmem>>, vector<16xf32>,
    %broadcast_in_dim3A_313 = arith.constant 0.000000e+00 : f32
    %broadcast_in_dim3A_314 = vector.broadcast %broadcast_in_dim3A_313 : f32 to vector<16xf32>
    %swap3A_315 = arith.constant 832 : index
    %swap3A_316 = tpu.vector_load %arg7[%swap3A_315] {strides = array<i32>} : memref<2048xf32, #tpu.memory_space<vmem>>, vector<16xf32>,
    %swap3A_317 = vector.shape_cast %swap3A_316 : vector<16xf32> to vector<16xf32>
    %swap3A_318 = vector.shape_cast %broadcast_in_dim3A_314 : vector<16xf32> to vector<16xf32>
    tpu.vector_store %arg7[%swap3A_315], %swap3A_318 {strides = array<i32>} : memref<2048xf32, #tpu.memory_space<vmem>>, vector<16xf32>,
    %broadcast_in_dim3A_319 = arith.constant 0.000000e+00 : f32
    %broadcast_in_dim3A_320 = vector.broadcast %broadcast_in_dim3A_319 : f32 to vector<16xf32>
    %swap3A_321 = arith.constant 848 : index
    %swap3A_322 = tpu.vector_load %arg7[%swap3A_321] {strides = array<i32>} : memref<2048xf32, #tpu.memory_space<vmem>>, vector<16xf32>,
    %swap3A_323 = vector.shape_cast %swap3A_322 : vector<16xf32> to vector<16xf32>
    %swap3A_324 = vector.shape_cast %broadcast_in_dim3A_320 : vector<16xf32> to vector<16xf32>
    tpu.vector_store %arg7[%swap3A_321], %swap3A_324 {strides = array<i32>} : memref<2048xf32, #tpu.memory_space<vmem>>, vector<16xf32>,
    %broadcast_in_dim3A_325 = arith.constant 0.000000e+00 : f32
    %broadcast_in_dim3A_326 = vector.broadcast %broadcast_in_dim3A_325 : f32 to vector<16xf32>
    %swap3A_327 = arith.constant 864 : index
    %swap3A_328 = tpu.vector_load %arg7[%swap3A_327] {strides = array<i32>} : memref<2048xf32, #tpu.memory_space<vmem>>, vector<16xf32>,
    %swap3A_329 = vector.shape_cast %swap3A_328 : vector<16xf32> to vector<16xf32>
    %swap3A_330 = vector.shape_cast %broadcast_in_dim3A_326 : vector<16xf32> to vector<16xf32>
    tpu.vector_store %arg7[%swap3A_327], %swap3A_330 {strides = array<i32>} : memref<2048xf32, #tpu.memory_space<vmem>>, vector<16xf32>,
    %broadcast_in_dim3A_331 = arith.constant 0.000000e+00 : f32
    %broadcast_in_dim3A_332 = vector.broadcast %broadcast_in_dim3A_331 : f32 to vector<16xf32>
    %swap3A_333 = arith.constant 880 : index
    %swap3A_334 = tpu.vector_load %arg7[%swap3A_333] {strides = array<i32>} : memref<2048xf32, #tpu.memory_space<vmem>>, vector<16xf32>,
    %swap3A_335 = vector.shape_cast %swap3A_334 : vector<16xf32> to vector<16xf32>
    %swap3A_336 = vector.shape_cast %broadcast_in_dim3A_332 : vector<16xf32> to vector<16xf32>
    tpu.vector_store %arg7[%swap3A_333], %swap3A_336 {strides = array<i32>} : memref<2048xf32, #tpu.memory_space<vmem>>, vector<16xf32>,
    %broadcast_in_dim3A_337 = arith.constant 0.000000e+00 : f32
    %broadcast_in_dim3A_338 = vector.broadcast %broadcast_in_dim3A_337 : f32 to vector<16xf32>
    %swap3A_339 = arith.constant 896 : index
    %swap3A_340 = tpu.vector_load %arg7[%swap3A_339] {strides = array<i32>} : memref<2048xf32, #tpu.memory_space<vmem>>, vector<16xf32>,
    %swap3A_341 = vector.shape_cast %swap3A_340 : vector<16xf32> to vector<16xf32>
    %swap3A_342 = vector.shape_cast %broadcast_in_dim3A_338 : vector<16xf32> to vector<16xf32>
    tpu.vector_store %arg7[%swap3A_339], %swap3A_342 {strides = array<i32>} : memref<2048xf32, #tpu.memory_space<vmem>>, vector<16xf32>,
    %broadcast_in_dim3A_343 = arith.constant 0.000000e+00 : f32
    %broadcast_in_dim3A_344 = vector.broadcast %broadcast_in_dim3A_343 : f32 to vector<16xf32>
    %swap3A_345 = arith.constant 912 : index
    %swap3A_346 = tpu.vector_load %arg7[%swap3A_345] {strides = array<i32>} : memref<2048xf32, #tpu.memory_space<vmem>>, vector<16xf32>,
    %swap3A_347 = vector.shape_cast %swap3A_346 : vector<16xf32> to vector<16xf32>
    %swap3A_348 = vector.shape_cast %broadcast_in_dim3A_344 : vector<16xf32> to vector<16xf32>
    tpu.vector_store %arg7[%swap3A_345], %swap3A_348 {strides = array<i32>} : memref<2048xf32, #tpu.memory_space<vmem>>, vector<16xf32>,
    %broadcast_in_dim3A_349 = arith.constant 0.000000e+00 : f32
    %broadcast_in_dim3A_350 = vector.broadcast %broadcast_in_dim3A_349 : f32 to vector<16xf32>
    %swap3A_351 = arith.constant 928 : index
    %swap3A_352 = tpu.vector_load %arg7[%swap3A_351] {strides = array<i32>} : memref<2048xf32, #tpu.memory_space<vmem>>, vector<16xf32>,
    %swap3A_353 = vector.shape_cast %swap3A_352 : vector<16xf32> to vector<16xf32>
    %swap3A_354 = vector.shape_cast %broadcast_in_dim3A_350 : vector<16xf32> to vector<16xf32>
    tpu.vector_store %arg7[%swap3A_351], %swap3A_354 {strides = array<i32>} : memref<2048xf32, #tpu.memory_space<vmem>>, vector<16xf32>,
    %broadcast_in_dim3A_355 = arith.constant 0.000000e+00 : f32
    %broadcast_in_dim3A_356 = vector.broadcast %broadcast_in_dim3A_355 : f32 to vector<16xf32>
    %swap3A_357 = arith.constant 944 : index
    %swap3A_358 = tpu.vector_load %arg7[%swap3A_357] {strides = array<i32>} : memref<2048xf32, #tpu.memory_space<vmem>>, vector<16xf32>,
    %swap3A_359 = vector.shape_cast %swap3A_358 : vector<16xf32> to vector<16xf32>
    %swap3A_360 = vector.shape_cast %broadcast_in_dim3A_356 : vector<16xf32> to vector<16xf32>
    tpu.vector_store %arg7[%swap3A_357], %swap3A_360 {strides = array<i32>} : memref<2048xf32, #tpu.memory_space<vmem>>, vector<16xf32>,
    %broadcast_in_dim3A_361 = arith.constant 0.000000e+00 : f32
    %broadcast_in_dim3A_362 = vector.broadcast %broadcast_in_dim3A_361 : f32 to vector<16xf32>
    %swap3A_363 = arith.constant 960 : index
    %swap3A_364 = tpu.vector_load %arg7[%swap3A_363] {strides = array<i32>} : memref<2048xf32, #tpu.memory_space<vmem>>, vector<16xf32>,
    %swap3A_365 = vector.shape_cast %swap3A_364 : vector<16xf32> to vector<16xf32>
    %swap3A_366 = vector.shape_cast %broadcast_in_dim3A_362 : vector<16xf32> to vector<16xf32>
    tpu.vector_store %arg7[%swap3A_363], %swap3A_366 {strides = array<i32>} : memref<2048xf32, #tpu.memory_space<vmem>>, vector<16xf32>,
    %broadcast_in_dim3A_367 = arith.constant 0.000000e+00 : f32
    %broadcast_in_dim3A_368 = vector.broadcast %broadcast_in_dim3A_367 : f32 to vector<16xf32>
    %swap3A_369 = arith.constant 976 : index
    %swap3A_370 = tpu.vector_load %arg7[%swap3A_369] {strides = array<i32>} : memref<2048xf32, #tpu.memory_space<vmem>>, vector<16xf32>,
    %swap3A_371 = vector.shape_cast %swap3A_370 : vector<16xf32> to vector<16xf32>
    %swap3A_372 = vector.shape_cast %broadcast_in_dim3A_368 : vector<16xf32> to vector<16xf32>
    tpu.vector_store %arg7[%swap3A_369], %swap3A_372 {strides = array<i32>} : memref<2048xf32, #tpu.memory_space<vmem>>, vector<16xf32>,
    %broadcast_in_dim3A_373 = arith.constant 0.000000e+00 : f32
    %broadcast_in_dim3A_374 = vector.broadcast %broadcast_in_dim3A_373 : f32 to vector<16xf32>
    %swap3A_375 = arith.constant 992 : index
    %swap3A_376 = tpu.vector_load %arg7[%swap3A_375] {strides = array<i32>} : memref<2048xf32, #tpu.memory_space<vmem>>, vector<16xf32>,
    %swap3A_377 = vector.shape_cast %swap3A_376 : vector<16xf32> to vector<16xf32>
    %swap3A_378 = vector.shape_cast %broadcast_in_dim3A_374 : vector<16xf32> to vector<16xf32>
    tpu.vector_store %arg7[%swap3A_375], %swap3A_378 {strides = array<i32>} : memref<2048xf32, #tpu.memory_space<vmem>>, vector<16xf32>,
    %broadcast_in_dim3A_379 = arith.constant 0.000000e+00 : f32
    %broadcast_in_dim3A_380 = vector.broadcast %broadcast_in_dim3A_379 : f32 to vector<16xf32>
    %swap3A_381 = arith.constant 1008 : index
    %swap3A_382 = tpu.vector_load %arg7[%swap3A_381] {strides = array<i32>} : memref<2048xf32, #tpu.memory_space<vmem>>, vector<16xf32>,
    %swap3A_383 = vector.shape_cast %swap3A_382 : vector<16xf32> to vector<16xf32>
    %swap3A_384 = vector.shape_cast %broadcast_in_dim3A_380 : vector<16xf32> to vector<16xf32>
    tpu.vector_store %arg7[%swap3A_381], %swap3A_384 {strides = array<i32>} : memref<2048xf32, #tpu.memory_space<vmem>>, vector<16xf32>,
    %broadcast_in_dim3A_385 = arith.constant 0.000000e+00 : f32
    %broadcast_in_dim3A_386 = vector.broadcast %broadcast_in_dim3A_385 : f32 to vector<16xf32>
    %swap3A_387 = arith.constant 1024 : index
    %swap3A_388 = tpu.vector_load %arg7[%swap3A_387] {strides = array<i32>} : memref<2048xf32, #tpu.memory_space<vmem>>, vector<16xf32>,
    %swap3A_389 = vector.shape_cast %swap3A_388 : vector<16xf32> to vector<16xf32>
    %swap3A_390 = vector.shape_cast %broadcast_in_dim3A_386 : vector<16xf32> to vector<16xf32>
    tpu.vector_store %arg7[%swap3A_387], %swap3A_390 {strides = array<i32>} : memref<2048xf32, #tpu.memory_space<vmem>>, vector<16xf32>,
    %broadcast_in_dim3A_391 = arith.constant 0.000000e+00 : f32
    %broadcast_in_dim3A_392 = vector.broadcast %broadcast_in_dim3A_391 : f32 to vector<16xf32>
    %swap3A_393 = arith.constant 1040 : index
    %swap3A_394 = tpu.vector_load %arg7[%swap3A_393] {strides = array<i32>} : memref<2048xf32, #tpu.memory_space<vmem>>, vector<16xf32>,
    %swap3A_395 = vector.shape_cast %swap3A_394 : vector<16xf32> to vector<16xf32>
    %swap3A_396 = vector.shape_cast %broadcast_in_dim3A_392 : vector<16xf32> to vector<16xf32>
    tpu.vector_store %arg7[%swap3A_393], %swap3A_396 {strides = array<i32>} : memref<2048xf32, #tpu.memory_space<vmem>>, vector<16xf32>,
    %broadcast_in_dim3A_397 = arith.constant 0.000000e+00 : f32
    %broadcast_in_dim3A_398 = vector.broadcast %broadcast_in_dim3A_397 : f32 to vector<16xf32>
    %swap3A_399 = arith.constant 1056 : index
    %swap3A_400 = tpu.vector_load %arg7[%swap3A_399] {strides = array<i32>} : memref<2048xf32, #tpu.memory_space<vmem>>, vector<16xf32>,
    %swap3A_401 = vector.shape_cast %swap3A_400 : vector<16xf32> to vector<16xf32>
    %swap3A_402 = vector.shape_cast %broadcast_in_dim3A_398 : vector<16xf32> to vector<16xf32>
    tpu.vector_store %arg7[%swap3A_399], %swap3A_402 {strides = array<i32>} : memref<2048xf32, #tpu.memory_space<vmem>>, vector<16xf32>,
    %broadcast_in_dim3A_403 = arith.constant 0.000000e+00 : f32
    %broadcast_in_dim3A_404 = vector.broadcast %broadcast_in_dim3A_403 : f32 to vector<16xf32>
    %swap3A_405 = arith.constant 1072 : index
    %swap3A_406 = tpu.vector_load %arg7[%swap3A_405] {strides = array<i32>} : memref<2048xf32, #tpu.memory_space<vmem>>, vector<16xf32>,
    %swap3A_407 = vector.shape_cast %swap3A_406 : vector<16xf32> to vector<16xf32>
    %swap3A_408 = vector.shape_cast %broadcast_in_dim3A_404 : vector<16xf32> to vector<16xf32>
    tpu.vector_store %arg7[%swap3A_405], %swap3A_408 {strides = array<i32>} : memref<2048xf32, #tpu.memory_space<vmem>>, vector<16xf32>,
    %broadcast_in_dim3A_409 = arith.constant 0.000000e+00 : f32
    %broadcast_in_dim3A_410 = vector.broadcast %broadcast_in_dim3A_409 : f32 to vector<16xf32>
    %swap3A_411 = arith.constant 1088 : index
    %swap3A_412 = tpu.vector_load %arg7[%swap3A_411] {strides = array<i32>} : memref<2048xf32, #tpu.memory_space<vmem>>, vector<16xf32>,
    %swap3A_413 = vector.shape_cast %swap3A_412 : vector<16xf32> to vector<16xf32>
    %swap3A_414 = vector.shape_cast %broadcast_in_dim3A_410 : vector<16xf32> to vector<16xf32>
    tpu.vector_store %arg7[%swap3A_411], %swap3A_414 {strides = array<i32>} : memref<2048xf32, #tpu.memory_space<vmem>>, vector<16xf32>,
    %broadcast_in_dim3A_415 = arith.constant 0.000000e+00 : f32
    %broadcast_in_dim3A_416 = vector.broadcast %broadcast_in_dim3A_415 : f32 to vector<16xf32>
    %swap3A_417 = arith.constant 1104 : index
    %swap3A_418 = tpu.vector_load %arg7[%swap3A_417] {strides = array<i32>} : memref<2048xf32, #tpu.memory_space<vmem>>, vector<16xf32>,
    %swap3A_419 = vector.shape_cast %swap3A_418 : vector<16xf32> to vector<16xf32>
    %swap3A_420 = vector.shape_cast %broadcast_in_dim3A_416 : vector<16xf32> to vector<16xf32>
    tpu.vector_store %arg7[%swap3A_417], %swap3A_420 {strides = array<i32>} : memref<2048xf32, #tpu.memory_space<vmem>>, vector<16xf32>,
    %broadcast_in_dim3A_421 = arith.constant 0.000000e+00 : f32
    %broadcast_in_dim3A_422 = vector.broadcast %broadcast_in_dim3A_421 : f32 to vector<16xf32>
    %swap3A_423 = arith.constant 1120 : index
    %swap3A_424 = tpu.vector_load %arg7[%swap3A_423] {strides = array<i32>} : memref<2048xf32, #tpu.memory_space<vmem>>, vector<16xf32>,
    %swap3A_425 = vector.shape_cast %swap3A_424 : vector<16xf32> to vector<16xf32>
    %swap3A_426 = vector.shape_cast %broadcast_in_dim3A_422 : vector<16xf32> to vector<16xf32>
    tpu.vector_store %arg7[%swap3A_423], %swap3A_426 {strides = array<i32>} : memref<2048xf32, #tpu.memory_space<vmem>>, vector<16xf32>,
    %broadcast_in_dim3A_427 = arith.constant 0.000000e+00 : f32
    %broadcast_in_dim3A_428 = vector.broadcast %broadcast_in_dim3A_427 : f32 to vector<16xf32>
    %swap3A_429 = arith.constant 1136 : index
    %swap3A_430 = tpu.vector_load %arg7[%swap3A_429] {strides = array<i32>} : memref<2048xf32, #tpu.memory_space<vmem>>, vector<16xf32>,
    %swap3A_431 = vector.shape_cast %swap3A_430 : vector<16xf32> to vector<16xf32>
    %swap3A_432 = vector.shape_cast %broadcast_in_dim3A_428 : vector<16xf32> to vector<16xf32>
    tpu.vector_store %arg7[%swap3A_429], %swap3A_432 {strides = array<i32>} : memref<2048xf32, #tpu.memory_space<vmem>>, vector<16xf32>,
    %broadcast_in_dim3A_433 = arith.constant 0.000000e+00 : f32
    %broadcast_in_dim3A_434 = vector.broadcast %broadcast_in_dim3A_433 : f32 to vector<16xf32>
    %swap3A_435 = arith.constant 1152 : index
    %swap3A_436 = tpu.vector_load %arg7[%swap3A_435] {strides = array<i32>} : memref<2048xf32, #tpu.memory_space<vmem>>, vector<16xf32>,
    %swap3A_437 = vector.shape_cast %swap3A_436 : vector<16xf32> to vector<16xf32>
    %swap3A_438 = vector.shape_cast %broadcast_in_dim3A_434 : vector<16xf32> to vector<16xf32>
    tpu.vector_store %arg7[%swap3A_435], %swap3A_438 {strides = array<i32>} : memref<2048xf32, #tpu.memory_space<vmem>>, vector<16xf32>,
    %broadcast_in_dim3A_439 = arith.constant 0.000000e+00 : f32
    %broadcast_in_dim3A_440 = vector.broadcast %broadcast_in_dim3A_439 : f32 to vector<16xf32>
    %swap3A_441 = arith.constant 1168 : index
    %swap3A_442 = tpu.vector_load %arg7[%swap3A_441] {strides = array<i32>} : memref<2048xf32, #tpu.memory_space<vmem>>, vector<16xf32>,
    %swap3A_443 = vector.shape_cast %swap3A_442 : vector<16xf32> to vector<16xf32>
    %swap3A_444 = vector.shape_cast %broadcast_in_dim3A_440 : vector<16xf32> to vector<16xf32>
    tpu.vector_store %arg7[%swap3A_441], %swap3A_444 {strides = array<i32>} : memref<2048xf32, #tpu.memory_space<vmem>>, vector<16xf32>,
    %broadcast_in_dim3A_445 = arith.constant 0.000000e+00 : f32
    %broadcast_in_dim3A_446 = vector.broadcast %broadcast_in_dim3A_445 : f32 to vector<16xf32>
    %swap3A_447 = arith.constant 1184 : index
    %swap3A_448 = tpu.vector_load %arg7[%swap3A_447] {strides = array<i32>} : memref<2048xf32, #tpu.memory_space<vmem>>, vector<16xf32>,
    %swap3A_449 = vector.shape_cast %swap3A_448 : vector<16xf32> to vector<16xf32>
    %swap3A_450 = vector.shape_cast %broadcast_in_dim3A_446 : vector<16xf32> to vector<16xf32>
    tpu.vector_store %arg7[%swap3A_447], %swap3A_450 {strides = array<i32>} : memref<2048xf32, #tpu.memory_space<vmem>>, vector<16xf32>,
    %broadcast_in_dim3A_451 = arith.constant 0.000000e+00 : f32
    %broadcast_in_dim3A_452 = vector.broadcast %broadcast_in_dim3A_451 : f32 to vector<16xf32>
    %swap3A_453 = arith.constant 1200 : index
    %swap3A_454 = tpu.vector_load %arg7[%swap3A_453] {strides = array<i32>} : memref<2048xf32, #tpu.memory_space<vmem>>, vector<16xf32>,
    %swap3A_455 = vector.shape_cast %swap3A_454 : vector<16xf32> to vector<16xf32>
    %swap3A_456 = vector.shape_cast %broadcast_in_dim3A_452 : vector<16xf32> to vector<16xf32>
    tpu.vector_store %arg7[%swap3A_453], %swap3A_456 {strides = array<i32>} : memref<2048xf32, #tpu.memory_space<vmem>>, vector<16xf32>,
    %broadcast_in_dim3A_457 = arith.constant 0.000000e+00 : f32
    %broadcast_in_dim3A_458 = vector.broadcast %broadcast_in_dim3A_457 : f32 to vector<16xf32>
    %swap3A_459 = arith.constant 1216 : index
    %swap3A_460 = tpu.vector_load %arg7[%swap3A_459] {strides = array<i32>} : memref<2048xf32, #tpu.memory_space<vmem>>, vector<16xf32>,
    %swap3A_461 = vector.shape_cast %swap3A_460 : vector<16xf32> to vector<16xf32>
    %swap3A_462 = vector.shape_cast %broadcast_in_dim3A_458 : vector<16xf32> to vector<16xf32>
    tpu.vector_store %arg7[%swap3A_459], %swap3A_462 {strides = array<i32>} : memref<2048xf32, #tpu.memory_space<vmem>>, vector<16xf32>,
    %broadcast_in_dim3A_463 = arith.constant 0.000000e+00 : f32
    %broadcast_in_dim3A_464 = vector.broadcast %broadcast_in_dim3A_463 : f32 to vector<16xf32>
    %swap3A_465 = arith.constant 1232 : index
    %swap3A_466 = tpu.vector_load %arg7[%swap3A_465] {strides = array<i32>} : memref<2048xf32, #tpu.memory_space<vmem>>, vector<16xf32>,
    %swap3A_467 = vector.shape_cast %swap3A_466 : vector<16xf32> to vector<16xf32>
    %swap3A_468 = vector.shape_cast %broadcast_in_dim3A_464 : vector<16xf32> to vector<16xf32>
    tpu.vector_store %arg7[%swap3A_465], %swap3A_468 {strides = array<i32>} : memref<2048xf32, #tpu.memory_space<vmem>>, vector<16xf32>,
    %broadcast_in_dim3A_469 = arith.constant 0.000000e+00 : f32
    %broadcast_in_dim3A_470 = vector.broadcast %broadcast_in_dim3A_469 : f32 to vector<16xf32>
    %swap3A_471 = arith.constant 1248 : index
    %swap3A_472 = tpu.vector_load %arg7[%swap3A_471] {strides = array<i32>} : memref<2048xf32, #tpu.memory_space<vmem>>, vector<16xf32>,
    %swap3A_473 = vector.shape_cast %swap3A_472 : vector<16xf32> to vector<16xf32>
    %swap3A_474 = vector.shape_cast %broadcast_in_dim3A_470 : vector<16xf32> to vector<16xf32>
    tpu.vector_store %arg7[%swap3A_471], %swap3A_474 {strides = array<i32>} : memref<2048xf32, #tpu.memory_space<vmem>>, vector<16xf32>,
    %broadcast_in_dim3A_475 = arith.constant 0.000000e+00 : f32
    %broadcast_in_dim3A_476 = vector.broadcast %broadcast_in_dim3A_475 : f32 to vector<16xf32>
    %swap3A_477 = arith.constant 1264 : index
    %swap3A_478 = tpu.vector_load %arg7[%swap3A_477] {strides = array<i32>} : memref<2048xf32, #tpu.memory_space<vmem>>, vector<16xf32>,
    %swap3A_479 = vector.shape_cast %swap3A_478 : vector<16xf32> to vector<16xf32>
    %swap3A_480 = vector.shape_cast %broadcast_in_dim3A_476 : vector<16xf32> to vector<16xf32>
    tpu.vector_store %arg7[%swap3A_477], %swap3A_480 {strides = array<i32>} : memref<2048xf32, #tpu.memory_space<vmem>>, vector<16xf32>,
    %broadcast_in_dim3A_481 = arith.constant 0.000000e+00 : f32
    %broadcast_in_dim3A_482 = vector.broadcast %broadcast_in_dim3A_481 : f32 to vector<16xf32>
    %swap3A_483 = arith.constant 1280 : index
    %swap3A_484 = tpu.vector_load %arg7[%swap3A_483] {strides = array<i32>} : memref<2048xf32, #tpu.memory_space<vmem>>, vector<16xf32>,
    %swap3A_485 = vector.shape_cast %swap3A_484 : vector<16xf32> to vector<16xf32>
    %swap3A_486 = vector.shape_cast %broadcast_in_dim3A_482 : vector<16xf32> to vector<16xf32>
    tpu.vector_store %arg7[%swap3A_483], %swap3A_486 {strides = array<i32>} : memref<2048xf32, #tpu.memory_space<vmem>>, vector<16xf32>,
    %broadcast_in_dim3A_487 = arith.constant 0.000000e+00 : f32
    %broadcast_in_dim3A_488 = vector.broadcast %broadcast_in_dim3A_487 : f32 to vector<16xf32>
    %swap3A_489 = arith.constant 1296 : index
    %swap3A_490 = tpu.vector_load %arg7[%swap3A_489] {strides = array<i32>} : memref<2048xf32, #tpu.memory_space<vmem>>, vector<16xf32>,
    %swap3A_491 = vector.shape_cast %swap3A_490 : vector<16xf32> to vector<16xf32>
    %swap3A_492 = vector.shape_cast %broadcast_in_dim3A_488 : vector<16xf32> to vector<16xf32>
    tpu.vector_store %arg7[%swap3A_489], %swap3A_492 {strides = array<i32>} : memref<2048xf32, #tpu.memory_space<vmem>>, vector<16xf32>,
    %broadcast_in_dim3A_493 = arith.constant 0.000000e+00 : f32
    %broadcast_in_dim3A_494 = vector.broadcast %broadcast_in_dim3A_493 : f32 to vector<16xf32>
    %swap3A_495 = arith.constant 1312 : index
    %swap3A_496 = tpu.vector_load %arg7[%swap3A_495] {strides = array<i32>} : memref<2048xf32, #tpu.memory_space<vmem>>, vector<16xf32>,
    %swap3A_497 = vector.shape_cast %swap3A_496 : vector<16xf32> to vector<16xf32>
    %swap3A_498 = vector.shape_cast %broadcast_in_dim3A_494 : vector<16xf32> to vector<16xf32>
    tpu.vector_store %arg7[%swap3A_495], %swap3A_498 {strides = array<i32>} : memref<2048xf32, #tpu.memory_space<vmem>>, vector<16xf32>,
    %broadcast_in_dim3A_499 = arith.constant 0.000000e+00 : f32
    %broadcast_in_dim3A_500 = vector.broadcast %broadcast_in_dim3A_499 : f32 to vector<16xf32>
    %swap3A_501 = arith.constant 1328 : index
    %swap3A_502 = tpu.vector_load %arg7[%swap3A_501] {strides = array<i32>} : memref<2048xf32, #tpu.memory_space<vmem>>, vector<16xf32>,
    %swap3A_503 = vector.shape_cast %swap3A_502 : vector<16xf32> to vector<16xf32>
    %swap3A_504 = vector.shape_cast %broadcast_in_dim3A_500 : vector<16xf32> to vector<16xf32>
    tpu.vector_store %arg7[%swap3A_501], %swap3A_504 {strides = array<i32>} : memref<2048xf32, #tpu.memory_space<vmem>>, vector<16xf32>,
    %broadcast_in_dim3A_505 = arith.constant 0.000000e+00 : f32
    %broadcast_in_dim3A_506 = vector.broadcast %broadcast_in_dim3A_505 : f32 to vector<16xf32>
    %swap3A_507 = arith.constant 1344 : index
    %swap3A_508 = tpu.vector_load %arg7[%swap3A_507] {strides = array<i32>} : memref<2048xf32, #tpu.memory_space<vmem>>, vector<16xf32>,
    %swap3A_509 = vector.shape_cast %swap3A_508 : vector<16xf32> to vector<16xf32>
    %swap3A_510 = vector.shape_cast %broadcast_in_dim3A_506 : vector<16xf32> to vector<16xf32>
    tpu.vector_store %arg7[%swap3A_507], %swap3A_510 {strides = array<i32>} : memref<2048xf32, #tpu.memory_space<vmem>>, vector<16xf32>,
    %broadcast_in_dim3A_511 = arith.constant 0.000000e+00 : f32
    %broadcast_in_dim3A_512 = vector.broadcast %broadcast_in_dim3A_511 : f32 to vector<16xf32>
    %swap3A_513 = arith.constant 1360 : index
    %swap3A_514 = tpu.vector_load %arg7[%swap3A_513] {strides = array<i32>} : memref<2048xf32, #tpu.memory_space<vmem>>, vector<16xf32>,
    %swap3A_515 = vector.shape_cast %swap3A_514 : vector<16xf32> to vector<16xf32>
    %swap3A_516 = vector.shape_cast %broadcast_in_dim3A_512 : vector<16xf32> to vector<16xf32>
    tpu.vector_store %arg7[%swap3A_513], %swap3A_516 {strides = array<i32>} : memref<2048xf32, #tpu.memory_space<vmem>>, vector<16xf32>,
    %broadcast_in_dim3A_517 = arith.constant 0.000000e+00 : f32
    %broadcast_in_dim3A_518 = vector.broadcast %broadcast_in_dim3A_517 : f32 to vector<16xf32>
    %swap3A_519 = arith.constant 1376 : index
    %swap3A_520 = tpu.vector_load %arg7[%swap3A_519] {strides = array<i32>} : memref<2048xf32, #tpu.memory_space<vmem>>, vector<16xf32>,
    %swap3A_521 = vector.shape_cast %swap3A_520 : vector<16xf32> to vector<16xf32>
    %swap3A_522 = vector.shape_cast %broadcast_in_dim3A_518 : vector<16xf32> to vector<16xf32>
    tpu.vector_store %arg7[%swap3A_519], %swap3A_522 {strides = array<i32>} : memref<2048xf32, #tpu.memory_space<vmem>>, vector<16xf32>,
    %broadcast_in_dim3A_523 = arith.constant 0.000000e+00 : f32
    %broadcast_in_dim3A_524 = vector.broadcast %broadcast_in_dim3A_523 : f32 to vector<16xf32>
    %swap3A_525 = arith.constant 1392 : index
    %swap3A_526 = tpu.vector_load %arg7[%swap3A_525] {strides = array<i32>} : memref<2048xf32, #tpu.memory_space<vmem>>, vector<16xf32>,
    %swap3A_527 = vector.shape_cast %swap3A_526 : vector<16xf32> to vector<16xf32>
    %swap3A_528 = vector.shape_cast %broadcast_in_dim3A_524 : vector<16xf32> to vector<16xf32>
    tpu.vector_store %arg7[%swap3A_525], %swap3A_528 {strides = array<i32>} : memref<2048xf32, #tpu.memory_space<vmem>>, vector<16xf32>,
    %broadcast_in_dim3A_529 = arith.constant 0.000000e+00 : f32
    %broadcast_in_dim3A_530 = vector.broadcast %broadcast_in_dim3A_529 : f32 to vector<16xf32>
    %swap3A_531 = arith.constant 1408 : index
    %swap3A_532 = tpu.vector_load %arg7[%swap3A_531] {strides = array<i32>} : memref<2048xf32, #tpu.memory_space<vmem>>, vector<16xf32>,
    %swap3A_533 = vector.shape_cast %swap3A_532 : vector<16xf32> to vector<16xf32>
    %swap3A_534 = vector.shape_cast %broadcast_in_dim3A_530 : vector<16xf32> to vector<16xf32>
    tpu.vector_store %arg7[%swap3A_531], %swap3A_534 {strides = array<i32>} : memref<2048xf32, #tpu.memory_space<vmem>>, vector<16xf32>,
    %broadcast_in_dim3A_535 = arith.constant 0.000000e+00 : f32
    %broadcast_in_dim3A_536 = vector.broadcast %broadcast_in_dim3A_535 : f32 to vector<16xf32>
    %swap3A_537 = arith.constant 1424 : index
    %swap3A_538 = tpu.vector_load %arg7[%swap3A_537] {strides = array<i32>} : memref<2048xf32, #tpu.memory_space<vmem>>, vector<16xf32>,
    %swap3A_539 = vector.shape_cast %swap3A_538 : vector<16xf32> to vector<16xf32>
    %swap3A_540 = vector.shape_cast %broadcast_in_dim3A_536 : vector<16xf32> to vector<16xf32>
    tpu.vector_store %arg7[%swap3A_537], %swap3A_540 {strides = array<i32>} : memref<2048xf32, #tpu.memory_space<vmem>>, vector<16xf32>,
    %broadcast_in_dim3A_541 = arith.constant 0.000000e+00 : f32
    %broadcast_in_dim3A_542 = vector.broadcast %broadcast_in_dim3A_541 : f32 to vector<16xf32>
    %swap3A_543 = arith.constant 1440 : index
    %swap3A_544 = tpu.vector_load %arg7[%swap3A_543] {strides = array<i32>} : memref<2048xf32, #tpu.memory_space<vmem>>, vector<16xf32>,
    %swap3A_545 = vector.shape_cast %swap3A_544 : vector<16xf32> to vector<16xf32>
    %swap3A_546 = vector.shape_cast %broadcast_in_dim3A_542 : vector<16xf32> to vector<16xf32>
    tpu.vector_store %arg7[%swap3A_543], %swap3A_546 {strides = array<i32>} : memref<2048xf32, #tpu.memory_space<vmem>>, vector<16xf32>,
    %broadcast_in_dim3A_547 = arith.constant 0.000000e+00 : f32
    %broadcast_in_dim3A_548 = vector.broadcast %broadcast_in_dim3A_547 : f32 to vector<16xf32>
    %swap3A_549 = arith.constant 1456 : index
    %swap3A_550 = tpu.vector_load %arg7[%swap3A_549] {strides = array<i32>} : memref<2048xf32, #tpu.memory_space<vmem>>, vector<16xf32>,
    %swap3A_551 = vector.shape_cast %swap3A_550 : vector<16xf32> to vector<16xf32>
    %swap3A_552 = vector.shape_cast %broadcast_in_dim3A_548 : vector<16xf32> to vector<16xf32>
    tpu.vector_store %arg7[%swap3A_549], %swap3A_552 {strides = array<i32>} : memref<2048xf32, #tpu.memory_space<vmem>>, vector<16xf32>,
    %broadcast_in_dim3A_553 = arith.constant 0.000000e+00 : f32
    %broadcast_in_dim3A_554 = vector.broadcast %broadcast_in_dim3A_553 : f32 to vector<16xf32>
    %swap3A_555 = arith.constant 1472 : index
    %swap3A_556 = tpu.vector_load %arg7[%swap3A_555] {strides = array<i32>} : memref<2048xf32, #tpu.memory_space<vmem>>, vector<16xf32>,
    %swap3A_557 = vector.shape_cast %swap3A_556 : vector<16xf32> to vector<16xf32>
    %swap3A_558 = vector.shape_cast %broadcast_in_dim3A_554 : vector<16xf32> to vector<16xf32>
    tpu.vector_store %arg7[%swap3A_555], %swap3A_558 {strides = array<i32>} : memref<2048xf32, #tpu.memory_space<vmem>>, vector<16xf32>,
    %broadcast_in_dim3A_559 = arith.constant 0.000000e+00 : f32
    %broadcast_in_dim3A_560 = vector.broadcast %broadcast_in_dim3A_559 : f32 to vector<16xf32>
    %swap3A_561 = arith.constant 1488 : index
    %swap3A_562 = tpu.vector_load %arg7[%swap3A_561] {strides = array<i32>} : memref<2048xf32, #tpu.memory_space<vmem>>, vector<16xf32>,
    %swap3A_563 = vector.shape_cast %swap3A_562 : vector<16xf32> to vector<16xf32>
    %swap3A_564 = vector.shape_cast %broadcast_in_dim3A_560 : vector<16xf32> to vector<16xf32>
    tpu.vector_store %arg7[%swap3A_561], %swap3A_564 {strides = array<i32>} : memref<2048xf32, #tpu.memory_space<vmem>>, vector<16xf32>,
    %broadcast_in_dim3A_565 = arith.constant 0.000000e+00 : f32
    %broadcast_in_dim3A_566 = vector.broadcast %broadcast_in_dim3A_565 : f32 to vector<16xf32>
    %swap3A_567 = arith.constant 1504 : index
    %swap3A_568 = tpu.vector_load %arg7[%swap3A_567] {strides = array<i32>} : memref<2048xf32, #tpu.memory_space<vmem>>, vector<16xf32>,
    %swap3A_569 = vector.shape_cast %swap3A_568 : vector<16xf32> to vector<16xf32>
    %swap3A_570 = vector.shape_cast %broadcast_in_dim3A_566 : vector<16xf32> to vector<16xf32>
    tpu.vector_store %arg7[%swap3A_567], %swap3A_570 {strides = array<i32>} : memref<2048xf32, #tpu.memory_space<vmem>>, vector<16xf32>,
    %broadcast_in_dim3A_571 = arith.constant 0.000000e+00 : f32
    %broadcast_in_dim3A_572 = vector.broadcast %broadcast_in_dim3A_571 : f32 to vector<16xf32>
    %swap3A_573 = arith.constant 1520 : index
    %swap3A_574 = tpu.vector_load %arg7[%swap3A_573] {strides = array<i32>} : memref<2048xf32, #tpu.memory_space<vmem>>, vector<16xf32>,
    %swap3A_575 = vector.shape_cast %swap3A_574 : vector<16xf32> to vector<16xf32>
    %swap3A_576 = vector.shape_cast %broadcast_in_dim3A_572 : vector<16xf32> to vector<16xf32>
    tpu.vector_store %arg7[%swap3A_573], %swap3A_576 {strides = array<i32>} : memref<2048xf32, #tpu.memory_space<vmem>>, vector<16xf32>,
    %broadcast_in_dim3A_577 = arith.constant 0.000000e+00 : f32
    %broadcast_in_dim3A_578 = vector.broadcast %broadcast_in_dim3A_577 : f32 to vector<16xf32>
    %swap3A_579 = arith.constant 1536 : index
    %swap3A_580 = tpu.vector_load %arg7[%swap3A_579] {strides = array<i32>} : memref<2048xf32, #tpu.memory_space<vmem>>, vector<16xf32>,
    %swap3A_581 = vector.shape_cast %swap3A_580 : vector<16xf32> to vector<16xf32>
    %swap3A_582 = vector.shape_cast %broadcast_in_dim3A_578 : vector<16xf32> to vector<16xf32>
    tpu.vector_store %arg7[%swap3A_579], %swap3A_582 {strides = array<i32>} : memref<2048xf32, #tpu.memory_space<vmem>>, vector<16xf32>,
    %broadcast_in_dim3A_583 = arith.constant 0.000000e+00 : f32
    %broadcast_in_dim3A_584 = vector.broadcast %broadcast_in_dim3A_583 : f32 to vector<16xf32>
    %swap3A_585 = arith.constant 1552 : index
    %swap3A_586 = tpu.vector_load %arg7[%swap3A_585] {strides = array<i32>} : memref<2048xf32, #tpu.memory_space<vmem>>, vector<16xf32>,
    %swap3A_587 = vector.shape_cast %swap3A_586 : vector<16xf32> to vector<16xf32>
    %swap3A_588 = vector.shape_cast %broadcast_in_dim3A_584 : vector<16xf32> to vector<16xf32>
    tpu.vector_store %arg7[%swap3A_585], %swap3A_588 {strides = array<i32>} : memref<2048xf32, #tpu.memory_space<vmem>>, vector<16xf32>,
    %broadcast_in_dim3A_589 = arith.constant 0.000000e+00 : f32
    %broadcast_in_dim3A_590 = vector.broadcast %broadcast_in_dim3A_589 : f32 to vector<16xf32>
    %swap3A_591 = arith.constant 1568 : index
    %swap3A_592 = tpu.vector_load %arg7[%swap3A_591] {strides = array<i32>} : memref<2048xf32, #tpu.memory_space<vmem>>, vector<16xf32>,
    %swap3A_593 = vector.shape_cast %swap3A_592 : vector<16xf32> to vector<16xf32>
    %swap3A_594 = vector.shape_cast %broadcast_in_dim3A_590 : vector<16xf32> to vector<16xf32>
    tpu.vector_store %arg7[%swap3A_591], %swap3A_594 {strides = array<i32>} : memref<2048xf32, #tpu.memory_space<vmem>>, vector<16xf32>,
    %broadcast_in_dim3A_595 = arith.constant 0.000000e+00 : f32
    %broadcast_in_dim3A_596 = vector.broadcast %broadcast_in_dim3A_595 : f32 to vector<16xf32>
    %swap3A_597 = arith.constant 1584 : index
    %swap3A_598 = tpu.vector_load %arg7[%swap3A_597] {strides = array<i32>} : memref<2048xf32, #tpu.memory_space<vmem>>, vector<16xf32>,
    %swap3A_599 = vector.shape_cast %swap3A_598 : vector<16xf32> to vector<16xf32>
    %swap3A_600 = vector.shape_cast %broadcast_in_dim3A_596 : vector<16xf32> to vector<16xf32>
    tpu.vector_store %arg7[%swap3A_597], %swap3A_600 {strides = array<i32>} : memref<2048xf32, #tpu.memory_space<vmem>>, vector<16xf32>,
    %broadcast_in_dim3A_601 = arith.constant 0.000000e+00 : f32
    %broadcast_in_dim3A_602 = vector.broadcast %broadcast_in_dim3A_601 : f32 to vector<16xf32>
    %swap3A_603 = arith.constant 1600 : index
    %swap3A_604 = tpu.vector_load %arg7[%swap3A_603] {strides = array<i32>} : memref<2048xf32, #tpu.memory_space<vmem>>, vector<16xf32>,
    %swap3A_605 = vector.shape_cast %swap3A_604 : vector<16xf32> to vector<16xf32>
    %swap3A_606 = vector.shape_cast %broadcast_in_dim3A_602 : vector<16xf32> to vector<16xf32>
    tpu.vector_store %arg7[%swap3A_603], %swap3A_606 {strides = array<i32>} : memref<2048xf32, #tpu.memory_space<vmem>>, vector<16xf32>,
    %broadcast_in_dim3A_607 = arith.constant 0.000000e+00 : f32
    %broadcast_in_dim3A_608 = vector.broadcast %broadcast_in_dim3A_607 : f32 to vector<16xf32>
    %swap3A_609 = arith.constant 1616 : index
    %swap3A_610 = tpu.vector_load %arg7[%swap3A_609] {strides = array<i32>} : memref<2048xf32, #tpu.memory_space<vmem>>, vector<16xf32>,
    %swap3A_611 = vector.shape_cast %swap3A_610 : vector<16xf32> to vector<16xf32>
    %swap3A_612 = vector.shape_cast %broadcast_in_dim3A_608 : vector<16xf32> to vector<16xf32>
    tpu.vector_store %arg7[%swap3A_609], %swap3A_612 {strides = array<i32>} : memref<2048xf32, #tpu.memory_space<vmem>>, vector<16xf32>,
    %broadcast_in_dim3A_613 = arith.constant 0.000000e+00 : f32
    %broadcast_in_dim3A_614 = vector.broadcast %broadcast_in_dim3A_613 : f32 to vector<16xf32>
    %swap3A_615 = arith.constant 1632 : index
    %swap3A_616 = tpu.vector_load %arg7[%swap3A_615] {strides = array<i32>} : memref<2048xf32, #tpu.memory_space<vmem>>, vector<16xf32>,
    %swap3A_617 = vector.shape_cast %swap3A_616 : vector<16xf32> to vector<16xf32>
    %swap3A_618 = vector.shape_cast %broadcast_in_dim3A_614 : vector<16xf32> to vector<16xf32>
    tpu.vector_store %arg7[%swap3A_615], %swap3A_618 {strides = array<i32>} : memref<2048xf32, #tpu.memory_space<vmem>>, vector<16xf32>,
    %broadcast_in_dim3A_619 = arith.constant 0.000000e+00 : f32
    %broadcast_in_dim3A_620 = vector.broadcast %broadcast_in_dim3A_619 : f32 to vector<16xf32>
    %swap3A_621 = arith.constant 1648 : index
    %swap3A_622 = tpu.vector_load %arg7[%swap3A_621] {strides = array<i32>} : memref<2048xf32, #tpu.memory_space<vmem>>, vector<16xf32>,
    %swap3A_623 = vector.shape_cast %swap3A_622 : vector<16xf32> to vector<16xf32>
    %swap3A_624 = vector.shape_cast %broadcast_in_dim3A_620 : vector<16xf32> to vector<16xf32>
    tpu.vector_store %arg7[%swap3A_621], %swap3A_624 {strides = array<i32>} : memref<2048xf32, #tpu.memory_space<vmem>>, vector<16xf32>,
    %broadcast_in_dim3A_625 = arith.constant 0.000000e+00 : f32
    %broadcast_in_dim3A_626 = vector.broadcast %broadcast_in_dim3A_625 : f32 to vector<16xf32>
    %swap3A_627 = arith.constant 1664 : index
    %swap3A_628 = tpu.vector_load %arg7[%swap3A_627] {strides = array<i32>} : memref<2048xf32, #tpu.memory_space<vmem>>, vector<16xf32>,
    %swap3A_629 = vector.shape_cast %swap3A_628 : vector<16xf32> to vector<16xf32>
    %swap3A_630 = vector.shape_cast %broadcast_in_dim3A_626 : vector<16xf32> to vector<16xf32>
    tpu.vector_store %arg7[%swap3A_627], %swap3A_630 {strides = array<i32>} : memref<2048xf32, #tpu.memory_space<vmem>>, vector<16xf32>,
    %broadcast_in_dim3A_631 = arith.constant 0.000000e+00 : f32
    %broadcast_in_dim3A_632 = vector.broadcast %broadcast_in_dim3A_631 : f32 to vector<16xf32>
    %swap3A_633 = arith.constant 1680 : index
    %swap3A_634 = tpu.vector_load %arg7[%swap3A_633] {strides = array<i32>} : memref<2048xf32, #tpu.memory_space<vmem>>, vector<16xf32>,
    %swap3A_635 = vector.shape_cast %swap3A_634 : vector<16xf32> to vector<16xf32>
    %swap3A_636 = vector.shape_cast %broadcast_in_dim3A_632 : vector<16xf32> to vector<16xf32>
    tpu.vector_store %arg7[%swap3A_633], %swap3A_636 {strides = array<i32>} : memref<2048xf32, #tpu.memory_space<vmem>>, vector<16xf32>,
    %broadcast_in_dim3A_637 = arith.constant 0.000000e+00 : f32
    %broadcast_in_dim3A_638 = vector.broadcast %broadcast_in_dim3A_637 : f32 to vector<16xf32>
    %swap3A_639 = arith.constant 1696 : index
    %swap3A_640 = tpu.vector_load %arg7[%swap3A_639] {strides = array<i32>} : memref<2048xf32, #tpu.memory_space<vmem>>, vector<16xf32>,
    %swap3A_641 = vector.shape_cast %swap3A_640 : vector<16xf32> to vector<16xf32>
    %swap3A_642 = vector.shape_cast %broadcast_in_dim3A_638 : vector<16xf32> to vector<16xf32>
    tpu.vector_store %arg7[%swap3A_639], %swap3A_642 {strides = array<i32>} : memref<2048xf32, #tpu.memory_space<vmem>>, vector<16xf32>,
    %broadcast_in_dim3A_643 = arith.constant 0.000000e+00 : f32
    %broadcast_in_dim3A_644 = vector.broadcast %broadcast_in_dim3A_643 : f32 to vector<16xf32>
    %swap3A_645 = arith.constant 1712 : index
    %swap3A_646 = tpu.vector_load %arg7[%swap3A_645] {strides = array<i32>} : memref<2048xf32, #tpu.memory_space<vmem>>, vector<16xf32>,
    %swap3A_647 = vector.shape_cast %swap3A_646 : vector<16xf32> to vector<16xf32>
    %swap3A_648 = vector.shape_cast %broadcast_in_dim3A_644 : vector<16xf32> to vector<16xf32>
    tpu.vector_store %arg7[%swap3A_645], %swap3A_648 {strides = array<i32>} : memref<2048xf32, #tpu.memory_space<vmem>>, vector<16xf32>,
    %broadcast_in_dim3A_649 = arith.constant 0.000000e+00 : f32
    %broadcast_in_dim3A_650 = vector.broadcast %broadcast_in_dim3A_649 : f32 to vector<16xf32>
    %swap3A_651 = arith.constant 1728 : index
    %swap3A_652 = tpu.vector_load %arg7[%swap3A_651] {strides = array<i32>} : memref<2048xf32, #tpu.memory_space<vmem>>, vector<16xf32>,
    %swap3A_653 = vector.shape_cast %swap3A_652 : vector<16xf32> to vector<16xf32>
    %swap3A_654 = vector.shape_cast %broadcast_in_dim3A_650 : vector<16xf32> to vector<16xf32>
    tpu.vector_store %arg7[%swap3A_651], %swap3A_654 {strides = array<i32>} : memref<2048xf32, #tpu.memory_space<vmem>>, vector<16xf32>,
    %broadcast_in_dim3A_655 = arith.constant 0.000000e+00 : f32
    %broadcast_in_dim3A_656 = vector.broadcast %broadcast_in_dim3A_655 : f32 to vector<16xf32>
    %swap3A_657 = arith.constant 1744 : index
    %swap3A_658 = tpu.vector_load %arg7[%swap3A_657] {strides = array<i32>} : memref<2048xf32, #tpu.memory_space<vmem>>, vector<16xf32>,
    %swap3A_659 = vector.shape_cast %swap3A_658 : vector<16xf32> to vector<16xf32>
    %swap3A_660 = vector.shape_cast %broadcast_in_dim3A_656 : vector<16xf32> to vector<16xf32>
    tpu.vector_store %arg7[%swap3A_657], %swap3A_660 {strides = array<i32>} : memref<2048xf32, #tpu.memory_space<vmem>>, vector<16xf32>,
    %broadcast_in_dim3A_661 = arith.constant 0.000000e+00 : f32
    %broadcast_in_dim3A_662 = vector.broadcast %broadcast_in_dim3A_661 : f32 to vector<16xf32>
    %swap3A_663 = arith.constant 1760 : index
    %swap3A_664 = tpu.vector_load %arg7[%swap3A_663] {strides = array<i32>} : memref<2048xf32, #tpu.memory_space<vmem>>, vector<16xf32>,
    %swap3A_665 = vector.shape_cast %swap3A_664 : vector<16xf32> to vector<16xf32>
    %swap3A_666 = vector.shape_cast %broadcast_in_dim3A_662 : vector<16xf32> to vector<16xf32>
    tpu.vector_store %arg7[%swap3A_663], %swap3A_666 {strides = array<i32>} : memref<2048xf32, #tpu.memory_space<vmem>>, vector<16xf32>,
    %broadcast_in_dim3A_667 = arith.constant 0.000000e+00 : f32
    %broadcast_in_dim3A_668 = vector.broadcast %broadcast_in_dim3A_667 : f32 to vector<16xf32>
    %swap3A_669 = arith.constant 1776 : index
    %swap3A_670 = tpu.vector_load %arg7[%swap3A_669] {strides = array<i32>} : memref<2048xf32, #tpu.memory_space<vmem>>, vector<16xf32>,
    %swap3A_671 = vector.shape_cast %swap3A_670 : vector<16xf32> to vector<16xf32>
    %swap3A_672 = vector.shape_cast %broadcast_in_dim3A_668 : vector<16xf32> to vector<16xf32>
    tpu.vector_store %arg7[%swap3A_669], %swap3A_672 {strides = array<i32>} : memref<2048xf32, #tpu.memory_space<vmem>>, vector<16xf32>,
    %broadcast_in_dim3A_673 = arith.constant 0.000000e+00 : f32
    %broadcast_in_dim3A_674 = vector.broadcast %broadcast_in_dim3A_673 : f32 to vector<16xf32>
    %swap3A_675 = arith.constant 1792 : index
    %swap3A_676 = tpu.vector_load %arg7[%swap3A_675] {strides = array<i32>} : memref<2048xf32, #tpu.memory_space<vmem>>, vector<16xf32>,
    %swap3A_677 = vector.shape_cast %swap3A_676 : vector<16xf32> to vector<16xf32>
    %swap3A_678 = vector.shape_cast %broadcast_in_dim3A_674 : vector<16xf32> to vector<16xf32>
    tpu.vector_store %arg7[%swap3A_675], %swap3A_678 {strides = array<i32>} : memref<2048xf32, #tpu.memory_space<vmem>>, vector<16xf32>,
    %broadcast_in_dim3A_679 = arith.constant 0.000000e+00 : f32
    %broadcast_in_dim3A_680 = vector.broadcast %broadcast_in_dim3A_679 : f32 to vector<16xf32>
    %swap3A_681 = arith.constant 1808 : index
    %swap3A_682 = tpu.vector_load %arg7[%swap3A_681] {strides = array<i32>} : memref<2048xf32, #tpu.memory_space<vmem>>, vector<16xf32>,
    %swap3A_683 = vector.shape_cast %swap3A_682 : vector<16xf32> to vector<16xf32>
    %swap3A_684 = vector.shape_cast %broadcast_in_dim3A_680 : vector<16xf32> to vector<16xf32>
    tpu.vector_store %arg7[%swap3A_681], %swap3A_684 {strides = array<i32>} : memref<2048xf32, #tpu.memory_space<vmem>>, vector<16xf32>,
    %broadcast_in_dim3A_685 = arith.constant 0.000000e+00 : f32
    %broadcast_in_dim3A_686 = vector.broadcast %broadcast_in_dim3A_685 : f32 to vector<16xf32>
    %swap3A_687 = arith.constant 1824 : index
    %swap3A_688 = tpu.vector_load %arg7[%swap3A_687] {strides = array<i32>} : memref<2048xf32, #tpu.memory_space<vmem>>, vector<16xf32>,
    %swap3A_689 = vector.shape_cast %swap3A_688 : vector<16xf32> to vector<16xf32>
    %swap3A_690 = vector.shape_cast %broadcast_in_dim3A_686 : vector<16xf32> to vector<16xf32>
    tpu.vector_store %arg7[%swap3A_687], %swap3A_690 {strides = array<i32>} : memref<2048xf32, #tpu.memory_space<vmem>>, vector<16xf32>,
    %broadcast_in_dim3A_691 = arith.constant 0.000000e+00 : f32
    %broadcast_in_dim3A_692 = vector.broadcast %broadcast_in_dim3A_691 : f32 to vector<16xf32>
    %swap3A_693 = arith.constant 1840 : index
    %swap3A_694 = tpu.vector_load %arg7[%swap3A_693] {strides = array<i32>} : memref<2048xf32, #tpu.memory_space<vmem>>, vector<16xf32>,
    %swap3A_695 = vector.shape_cast %swap3A_694 : vector<16xf32> to vector<16xf32>
    %swap3A_696 = vector.shape_cast %broadcast_in_dim3A_692 : vector<16xf32> to vector<16xf32>
    tpu.vector_store %arg7[%swap3A_693], %swap3A_696 {strides = array<i32>} : memref<2048xf32, #tpu.memory_space<vmem>>, vector<16xf32>,
    %broadcast_in_dim3A_697 = arith.constant 0.000000e+00 : f32
    %broadcast_in_dim3A_698 = vector.broadcast %broadcast_in_dim3A_697 : f32 to vector<16xf32>
    %swap3A_699 = arith.constant 1856 : index
    %swap3A_700 = tpu.vector_load %arg7[%swap3A_699] {strides = array<i32>} : memref<2048xf32, #tpu.memory_space<vmem>>, vector<16xf32>,
    %swap3A_701 = vector.shape_cast %swap3A_700 : vector<16xf32> to vector<16xf32>
    %swap3A_702 = vector.shape_cast %broadcast_in_dim3A_698 : vector<16xf32> to vector<16xf32>
    tpu.vector_store %arg7[%swap3A_699], %swap3A_702 {strides = array<i32>} : memref<2048xf32, #tpu.memory_space<vmem>>, vector<16xf32>,
    %broadcast_in_dim3A_703 = arith.constant 0.000000e+00 : f32
    %broadcast_in_dim3A_704 = vector.broadcast %broadcast_in_dim3A_703 : f32 to vector<16xf32>
    %swap3A_705 = arith.constant 1872 : index
    %swap3A_706 = tpu.vector_load %arg7[%swap3A_705] {strides = array<i32>} : memref<2048xf32, #tpu.memory_space<vmem>>, vector<16xf32>,
    %swap3A_707 = vector.shape_cast %swap3A_706 : vector<16xf32> to vector<16xf32>
    %swap3A_708 = vector.shape_cast %broadcast_in_dim3A_704 : vector<16xf32> to vector<16xf32>
    tpu.vector_store %arg7[%swap3A_705], %swap3A_708 {strides = array<i32>} : memref<2048xf32, #tpu.memory_space<vmem>>, vector<16xf32>,
    %broadcast_in_dim3A_709 = arith.constant 0.000000e+00 : f32
    %broadcast_in_dim3A_710 = vector.broadcast %broadcast_in_dim3A_709 : f32 to vector<16xf32>
    %swap3A_711 = arith.constant 1888 : index
    %swap3A_712 = tpu.vector_load %arg7[%swap3A_711] {strides = array<i32>} : memref<2048xf32, #tpu.memory_space<vmem>>, vector<16xf32>,
    %swap3A_713 = vector.shape_cast %swap3A_712 : vector<16xf32> to vector<16xf32>
    %swap3A_714 = vector.shape_cast %broadcast_in_dim3A_710 : vector<16xf32> to vector<16xf32>
    tpu.vector_store %arg7[%swap3A_711], %swap3A_714 {strides = array<i32>} : memref<2048xf32, #tpu.memory_space<vmem>>, vector<16xf32>,
    %broadcast_in_dim3A_715 = arith.constant 0.000000e+00 : f32
    %broadcast_in_dim3A_716 = vector.broadcast %broadcast_in_dim3A_715 : f32 to vector<16xf32>
    %swap3A_717 = arith.constant 1904 : index
    %swap3A_718 = tpu.vector_load %arg7[%swap3A_717] {strides = array<i32>} : memref<2048xf32, #tpu.memory_space<vmem>>, vector<16xf32>,
    %swap3A_719 = vector.shape_cast %swap3A_718 : vector<16xf32> to vector<16xf32>
    %swap3A_720 = vector.shape_cast %broadcast_in_dim3A_716 : vector<16xf32> to vector<16xf32>
    tpu.vector_store %arg7[%swap3A_717], %swap3A_720 {strides = array<i32>} : memref<2048xf32, #tpu.memory_space<vmem>>, vector<16xf32>,
    %broadcast_in_dim3A_721 = arith.constant 0.000000e+00 : f32
    %broadcast_in_dim3A_722 = vector.broadcast %broadcast_in_dim3A_721 : f32 to vector<16xf32>
    %swap3A_723 = arith.constant 1920 : index
    %swap3A_724 = tpu.vector_load %arg7[%swap3A_723] {strides = array<i32>} : memref<2048xf32, #tpu.memory_space<vmem>>, vector<16xf32>,
    %swap3A_725 = vector.shape_cast %swap3A_724 : vector<16xf32> to vector<16xf32>
    %swap3A_726 = vector.shape_cast %broadcast_in_dim3A_722 : vector<16xf32> to vector<16xf32>
    tpu.vector_store %arg7[%swap3A_723], %swap3A_726 {strides = array<i32>} : memref<2048xf32, #tpu.memory_space<vmem>>, vector<16xf32>,
    %broadcast_in_dim3A_727 = arith.constant 0.000000e+00 : f32
    %broadcast_in_dim3A_728 = vector.broadcast %broadcast_in_dim3A_727 : f32 to vector<16xf32>
    %swap3A_729 = arith.constant 1936 : index
    %swap3A_730 = tpu.vector_load %arg7[%swap3A_729] {strides = array<i32>} : memref<2048xf32, #tpu.memory_space<vmem>>, vector<16xf32>,
    %swap3A_731 = vector.shape_cast %swap3A_730 : vector<16xf32> to vector<16xf32>
    %swap3A_732 = vector.shape_cast %broadcast_in_dim3A_728 : vector<16xf32> to vector<16xf32>
    tpu.vector_store %arg7[%swap3A_729], %swap3A_732 {strides = array<i32>} : memref<2048xf32, #tpu.memory_space<vmem>>, vector<16xf32>,
    %broadcast_in_dim3A_733 = arith.constant 0.000000e+00 : f32
    %broadcast_in_dim3A_734 = vector.broadcast %broadcast_in_dim3A_733 : f32 to vector<16xf32>
    %swap3A_735 = arith.constant 1952 : index
    %swap3A_736 = tpu.vector_load %arg7[%swap3A_735] {strides = array<i32>} : memref<2048xf32, #tpu.memory_space<vmem>>, vector<16xf32>,
    %swap3A_737 = vector.shape_cast %swap3A_736 : vector<16xf32> to vector<16xf32>
    %swap3A_738 = vector.shape_cast %broadcast_in_dim3A_734 : vector<16xf32> to vector<16xf32>
    tpu.vector_store %arg7[%swap3A_735], %swap3A_738 {strides = array<i32>} : memref<2048xf32, #tpu.memory_space<vmem>>, vector<16xf32>,
    %broadcast_in_dim3A_739 = arith.constant 0.000000e+00 : f32
    %broadcast_in_dim3A_740 = vector.broadcast %broadcast_in_dim3A_739 : f32 to vector<16xf32>
    %swap3A_741 = arith.constant 1968 : index
    %swap3A_742 = tpu.vector_load %arg7[%swap3A_741] {strides = array<i32>} : memref<2048xf32, #tpu.memory_space<vmem>>, vector<16xf32>,
    %swap3A_743 = vector.shape_cast %swap3A_742 : vector<16xf32> to vector<16xf32>
    %swap3A_744 = vector.shape_cast %broadcast_in_dim3A_740 : vector<16xf32> to vector<16xf32>
    tpu.vector_store %arg7[%swap3A_741], %swap3A_744 {strides = array<i32>} : memref<2048xf32, #tpu.memory_space<vmem>>, vector<16xf32>,
    %broadcast_in_dim3A_745 = arith.constant 0.000000e+00 : f32
    %broadcast_in_dim3A_746 = vector.broadcast %broadcast_in_dim3A_745 : f32 to vector<16xf32>
    %swap3A_747 = arith.constant 1984 : index
    %swap3A_748 = tpu.vector_load %arg7[%swap3A_747] {strides = array<i32>} : memref<2048xf32, #tpu.memory_space<vmem>>, vector<16xf32>,
    %swap3A_749 = vector.shape_cast %swap3A_748 : vector<16xf32> to vector<16xf32>
    %swap3A_750 = vector.shape_cast %broadcast_in_dim3A_746 : vector<16xf32> to vector<16xf32>
    tpu.vector_store %arg7[%swap3A_747], %swap3A_750 {strides = array<i32>} : memref<2048xf32, #tpu.memory_space<vmem>>, vector<16xf32>,
    %broadcast_in_dim3A_751 = arith.constant 0.000000e+00 : f32
    %broadcast_in_dim3A_752 = vector.broadcast %broadcast_in_dim3A_751 : f32 to vector<16xf32>
    %swap3A_753 = arith.constant 2000 : index
    %swap3A_754 = tpu.vector_load %arg7[%swap3A_753] {strides = array<i32>} : memref<2048xf32, #tpu.memory_space<vmem>>, vector<16xf32>,
    %swap3A_755 = vector.shape_cast %swap3A_754 : vector<16xf32> to vector<16xf32>
    %swap3A_756 = vector.shape_cast %broadcast_in_dim3A_752 : vector<16xf32> to vector<16xf32>
    tpu.vector_store %arg7[%swap3A_753], %swap3A_756 {strides = array<i32>} : memref<2048xf32, #tpu.memory_space<vmem>>, vector<16xf32>,
    %broadcast_in_dim3A_757 = arith.constant 0.000000e+00 : f32
    %broadcast_in_dim3A_758 = vector.broadcast %broadcast_in_dim3A_757 : f32 to vector<16xf32>
    %swap3A_759 = arith.constant 2016 : index
    %swap3A_760 = tpu.vector_load %arg7[%swap3A_759] {strides = array<i32>} : memref<2048xf32, #tpu.memory_space<vmem>>, vector<16xf32>,
    %swap3A_761 = vector.shape_cast %swap3A_760 : vector<16xf32> to vector<16xf32>
    %swap3A_762 = vector.shape_cast %broadcast_in_dim3A_758 : vector<16xf32> to vector<16xf32>
    tpu.vector_store %arg7[%swap3A_759], %swap3A_762 {strides = array<i32>} : memref<2048xf32, #tpu.memory_space<vmem>>, vector<16xf32>,
    %broadcast_in_dim3A_763 = arith.constant 0.000000e+00 : f32
    %broadcast_in_dim3A_764 = vector.broadcast %broadcast_in_dim3A_763 : f32 to vector<16xf32>
    %swap3A_765 = arith.constant 2032 : index
    %swap3A_766 = tpu.vector_load %arg7[%swap3A_765] {strides = array<i32>} : memref<2048xf32, #tpu.memory_space<vmem>>, vector<16xf32>,
    %swap3A_767 = vector.shape_cast %swap3A_766 : vector<16xf32> to vector<16xf32>
    %swap3A_768 = vector.shape_cast %broadcast_in_dim3A_764 : vector<16xf32> to vector<16xf32>
    tpu.vector_store %arg7[%swap3A_765], %swap3A_768 {strides = array<i32>} : memref<2048xf32, #tpu.memory_space<vmem>>, vector<16xf32>,
    %eq3A = arith.constant 0 : i32
    %eq3A_769 = arith.cmpi eq, %arg1, %eq3A : i32
    %convert_element_type3A = arith.extui %eq3A_769 : i1 to i32
    %cond3A = arith.constant 0 : i32
    %cond3A_770 = arith.cmpi ne, %convert_element_type3A, %cond3A : i32
    scf.if %cond3A_770 {
      "tpu.region"() ({
        %run_scoped3A = tpu.sem_alloc : memref<!tpu.dma_semaphore, #tpu.memory_space<semaphore_mem>>
        tpu.enqueue_dma source(%arg7 : memref<2048xf32, #tpu.memory_space<vmem>>) target(%arg8 : memref<2048xf32, #tpu.memory_space<vmem_shared>>) target_semaphore(%run_scoped3A : memref<!tpu.dma_semaphore, #tpu.memory_space<semaphore_mem>>)
        tpu.wait_dma2 semaphore(%run_scoped3A : memref<!tpu.dma_semaphore, #tpu.memory_space<semaphore_mem>>) src(%arg7 : memref<2048xf32, #tpu.memory_space<vmem>>) dst(%arg8 : memref<2048xf32, #tpu.memory_space<vmem_shared>>)
        tpu.yield
      }) : () -> ()
    } else {
    }
    %barrier3A = arith.constant 0 : index
    tpu.barrier barrier_id(%barrier3A)
    "tpu.region"() ({
      %run_scoped3A = tpu.sem_alloc : memref<!tpu.dma_semaphore, #tpu.memory_space<semaphore_mem>>
      %dma_start3A = arith.constant 0 : i32
      %dma_start3A_777 = tpu.memref_slice %arg8[%dma_start3A] : memref<2048xf32, #tpu.memory_space<vmem_shared>> -> memref<2048xf32, #tpu.memory_space<vmem_shared>>
      tpu.enqueue_indirect_dma source(%arg6 : memref<160xf32, #tpu.memory_space<vmem>>) target(%dma_start3A_777 : memref<2048xf32, #tpu.memory_space<vmem_shared>>) offsets(%arg5 : memref<160xi32, #tpu.memory_space<vmem>>) semaphore(%run_scoped3A : memref<!tpu.dma_semaphore, #tpu.memory_space<semaphore_mem>>) {add = true}
      %dma_wait3A = arith.constant 0 : i32
      %dma_wait3A_778 = tpu.memref_slice %arg8[%dma_wait3A] : memref<2048xf32, #tpu.memory_space<vmem_shared>> -> memref<2048xf32, #tpu.memory_space<vmem_shared>>
      tpu.wait_indirect_dma semaphore(%run_scoped3A : memref<!tpu.dma_semaphore, #tpu.memory_space<semaphore_mem>>) src(%arg6 : memref<160xf32, #tpu.memory_space<vmem>>) dst(%dma_wait3A_778 : memref<2048xf32, #tpu.memory_space<vmem_shared>>)
      tpu.yield
    }) : () -> ()
    %barrier3A_771 = arith.constant 0 : index
    tpu.barrier barrier_id(%barrier3A_771)
    %eq3A_772 = arith.constant 0 : i32
    %eq3A_773 = arith.cmpi eq, %arg1, %eq3A_772 : i32
    %convert_element_type3A_774 = arith.extui %eq3A_773 : i1 to i32
    %cond3A_775 = arith.constant 0 : i32
    %cond3A_776 = arith.cmpi ne, %convert_element_type3A_774, %cond3A_775 : i32
    scf.if %cond3A_776 {
      "tpu.region"() ({
        %run_scoped3A = tpu.sem_alloc : memref<!tpu.dma_semaphore, #tpu.memory_space<semaphore_mem>>
        %dma_start3A = arith.constant 0 : i32
        %dma_start3A_777 = tpu.memref_slice %arg4[%arg0, %dma_start3A] : memref<2x2048xf32, #tpu.memory_space<hbm>> -> memref<1x2048xf32, #tpu.memory_space<hbm>>
        %dma_start3A_778 = tpu.memref_squeeze %dma_start3A_777 : memref<1x2048xf32, #tpu.memory_space<hbm>> -> memref<2048xf32, #tpu.memory_space<hbm>>
        tpu.enqueue_dma source(%arg8 : memref<2048xf32, #tpu.memory_space<vmem_shared>>) target(%dma_start3A_778 : memref<2048xf32, #tpu.memory_space<hbm>>) target_semaphore(%run_scoped3A : memref<!tpu.dma_semaphore, #tpu.memory_space<semaphore_mem>>)
        %dma_wait3A = arith.constant 0 : i32
        %dma_wait3A_779 = tpu.memref_slice %arg4[%arg0, %dma_wait3A] : memref<2x2048xf32, #tpu.memory_space<hbm>> -> memref<1x2048xf32, #tpu.memory_space<hbm>>
        %dma_wait3A_780 = tpu.memref_squeeze %dma_wait3A_779 : memref<1x2048xf32, #tpu.memory_space<hbm>> -> memref<2048xf32, #tpu.memory_space<hbm>>
        tpu.wait_dma2 semaphore(%run_scoped3A : memref<!tpu.dma_semaphore, #tpu.memory_space<semaphore_mem>>) src(%arg8 : memref<2048xf32, #tpu.memory_space<vmem_shared>>) dst(%dma_wait3A_780 : memref<2048xf32, #tpu.memory_space<hbm>>)
        tpu.yield
      }) : () -> ()
    } else {
    }
    return
  }
}

module attributes {stable_mosaic.version = 14 : i64} {
  func.func @_dense_body(%arg0: i32, %arg1: memref<512x8xf32, #tpu.memory_space<vmem>>, %arg2: memref<8x2048xf32, #tpu.memory_space<vmem>>, %arg3: memref<2048x8xf32, #tpu.memory_space<vmem>>, %arg4: memref<8x512xf32, #tpu.memory_space<vmem>>) attributes {dimension_semantics = [#tpu.dimension_semantics<arbitrary>], iteration_bounds = array<i64: 10>, scalar_prefetch = 0 : i64, scratch_operands = 0 : i64, tpu.core_type = #tpu.core_type<tc>, window_params = [{transform_indices = @transform_0, window_bounds = array<i64: 512, 8>}, {pipeline_mode = #tpu.pipeline_mode<synchronous>, transform_indices = @transform_1, window_bounds = array<i64: 8, 2048>}, {pipeline_mode = #tpu.pipeline_mode<synchronous>, transform_indices = @transform_2, window_bounds = array<i64: 2048, 8>}, {transform_indices = @transform_3, window_bounds = array<i64: 8, 512>}]} {
    %get3A = arith.constant 0 : index
    %get3A_0 = arith.constant 0 : index
    %get3A_1 = vector.load %arg1[%get3A, %get3A_0] : memref<512x8xf32, #tpu.memory_space<vmem>>, vector<512x1xf32>
    %get3A_2 = arith.constant 0 : index
    %get3A_3 = arith.constant 1 : index
    %get3A_4 = vector.load %arg1[%get3A_2, %get3A_3] : memref<512x8xf32, #tpu.memory_space<vmem>>, vector<512x1xf32>
    %get3A_5 = arith.constant 0 : index
    %get3A_6 = arith.constant 2 : index
    %get3A_7 = vector.load %arg1[%get3A_5, %get3A_6] : memref<512x8xf32, #tpu.memory_space<vmem>>, vector<512x1xf32>
    %get3A_8 = arith.constant 0 : index
    %get3A_9 = arith.constant 3 : index
    %get3A_10 = vector.load %arg1[%get3A_8, %get3A_9] : memref<512x8xf32, #tpu.memory_space<vmem>>, vector<512x1xf32>
    %get3A_11 = arith.constant 0 : index
    %get3A_12 = arith.constant 0 : index
    %get3A_13 = vector.load %arg2[%get3A_11, %get3A_12] : memref<8x2048xf32, #tpu.memory_space<vmem>>, vector<1x2048xf32>
    %get3A_14 = arith.constant 1 : index
    %get3A_15 = arith.constant 0 : index
    %get3A_16 = vector.load %arg2[%get3A_14, %get3A_15] : memref<8x2048xf32, #tpu.memory_space<vmem>>, vector<1x2048xf32>
    %get3A_17 = arith.constant 2 : index
    %get3A_18 = arith.constant 0 : index
    %get3A_19 = vector.load %arg2[%get3A_17, %get3A_18] : memref<8x2048xf32, #tpu.memory_space<vmem>>, vector<1x2048xf32>
    %get3A_20 = arith.constant 3 : index
    %get3A_21 = arith.constant 0 : index
    %get3A_22 = vector.load %arg2[%get3A_20, %get3A_21] : memref<8x2048xf32, #tpu.memory_space<vmem>>, vector<1x2048xf32>
    %sub3A = arith.subf %get3A_7, %get3A_1 : vector<512x1xf32>
    %sub3A_23 = arith.subf %get3A_10, %get3A_4 : vector<512x1xf32>
    %mul3A = arith.mulf %sub3A, %sub3A_23 : vector<512x1xf32>
    %sub3A_24 = arith.subf %get3A_19, %get3A_13 : vector<1x2048xf32>
    %sub3A_25 = arith.subf %get3A_22, %get3A_16 : vector<1x2048xf32>
    %mul3A_26 = arith.mulf %sub3A_24, %sub3A_25 : vector<1x2048xf32>
    %min3A = vector.broadcast %get3A_7 : vector<512x1xf32> to vector<512x2048xf32>
    %min3A_27 = vector.broadcast %get3A_19 : vector<1x2048xf32> to vector<512x2048xf32>
    %min3A_28 = arith.minimumf %min3A, %min3A_27 : vector<512x2048xf32>
    %max3A = vector.broadcast %get3A_1 : vector<512x1xf32> to vector<512x2048xf32>
    %max3A_29 = vector.broadcast %get3A_13 : vector<1x2048xf32> to vector<512x2048xf32>
    %max3A_30 = arith.maximumf %max3A, %max3A_29 : vector<512x2048xf32>
    %sub3A_31 = arith.subf %min3A_28, %max3A_30 : vector<512x2048xf32>
    %max3A_32 = arith.constant 0.000000e+00 : f32
    %max3A_33 = vector.broadcast %max3A_32 : f32 to vector<512x2048xf32>
    %max3A_34 = arith.maximumf %sub3A_31, %max3A_33 : vector<512x2048xf32>
    %min3A_35 = vector.broadcast %get3A_10 : vector<512x1xf32> to vector<512x2048xf32>
    %min3A_36 = vector.broadcast %get3A_22 : vector<1x2048xf32> to vector<512x2048xf32>
    %min3A_37 = arith.minimumf %min3A_35, %min3A_36 : vector<512x2048xf32>
    %max3A_38 = vector.broadcast %get3A_4 : vector<512x1xf32> to vector<512x2048xf32>
    %max3A_39 = vector.broadcast %get3A_16 : vector<1x2048xf32> to vector<512x2048xf32>
    %max3A_40 = arith.maximumf %max3A_38, %max3A_39 : vector<512x2048xf32>
    %sub3A_41 = arith.subf %min3A_37, %max3A_40 : vector<512x2048xf32>
    %max3A_42 = arith.constant 0.000000e+00 : f32
    %max3A_43 = vector.broadcast %max3A_42 : f32 to vector<512x2048xf32>
    %max3A_44 = arith.maximumf %sub3A_41, %max3A_43 : vector<512x2048xf32>
    %mul3A_45 = arith.mulf %max3A_34, %max3A_44 : vector<512x2048xf32>
    %add3A = vector.broadcast %mul3A : vector<512x1xf32> to vector<512x2048xf32>
    %add3A_46 = vector.broadcast %mul3A_26 : vector<1x2048xf32> to vector<512x2048xf32>
    %add3A_47 = arith.addf %add3A, %add3A_46 : vector<512x2048xf32>
    %sub3A_48 = arith.subf %add3A_47, %mul3A_45 : vector<512x2048xf32>
    %add3A_49 = arith.constant 1.000000e-07 : f32
    %add3A_50 = vector.broadcast %add3A_49 : f32 to vector<512x2048xf32>
    %add3A_51 = arith.addf %sub3A_48, %add3A_50 : vector<512x2048xf32>
    %div3A = arith.divf %mul3A_45, %add3A_51 : vector<512x2048xf32>
    %reduce_max3A = arith.constant dense<0xFF800000> : vector<512xf32>
    %reduce_max3A_52 = vector.multi_reduction <maximumf>, %div3A, %reduce_max3A [1] : vector<512x2048xf32> to vector<512xf32>
    %broadcast_in_dim3A = vector.shape_cast %reduce_max3A_52 : vector<512xf32> to vector<512x1xf32>
    %iota3A = tpu.iota {dimensions = array<i32: 1>} : vector<512x2048xi32>
    %eq3A = vector.broadcast %broadcast_in_dim3A : vector<512x1xf32> to vector<512x2048xf32>
    %eq3A_53 = arith.cmpf oeq, %div3A, %eq3A : vector<512x2048xf32>
    %jit3A = arith.constant 1073741824 : i32
    %broadcast_in_dim3A_54 = vector.broadcast %jit3A : i32 to vector<512x2048xi32>
    %select_n3A = arith.select %eq3A_53, %iota3A, %broadcast_in_dim3A_54 : vector<512x2048xi1>, vector<512x2048xi32>
    %reduce_min3A = arith.constant dense<2147483647> : vector<512xi32>
    %reduce_min3A_55 = vector.multi_reduction <minsi>, %select_n3A, %reduce_min3A [1] : vector<512x2048xi32> to vector<512xi32>
    %broadcast_in_dim3A_56 = vector.shape_cast %reduce_min3A_55 : vector<512xi32> to vector<512x1xi32>
    %eq3A_57 = vector.broadcast %broadcast_in_dim3A_56 : vector<512x1xi32> to vector<512x2048xi32>
    %eq3A_58 = arith.cmpi eq, %iota3A, %eq3A_57 : vector<512x2048xi32>
    %mul3A_59 = arith.constant 512 : i32
    %mul3A_60 = arith.muli %arg0, %mul3A_59 : i32
    %iota3A_61 = tpu.iota {dimensions = array<i32: 0>} : vector<512x1xi32>
    %add3A_62 = vector.broadcast %mul3A_60 : i32 to vector<512x1xi32>
    %add3A_63 = arith.addi %add3A_62, %iota3A_61 : vector<512x1xi32>
    %gt3A = arith.constant 4.500000e-01 : f32
    %gt3A_64 = vector.broadcast %gt3A : f32 to vector<512x1xf32>
    %gt3A_65 = arith.cmpf ogt, %broadcast_in_dim3A, %gt3A_64 : vector<512x1xf32>
    %lt3A = arith.constant 5000 : i32
    %lt3A_66 = vector.broadcast %lt3A : i32 to vector<512x1xi32>
    %lt3A_67 = arith.cmpi slt, %add3A_63, %lt3A_66 : vector<512x1xi32>
    %and3A = arith.andi %gt3A_65, %lt3A_67 : vector<512x1xi1>
    %convert_element_type3A = arith.extui %and3A : vector<512x1xi1> to vector<512x1xi32>
    %convert_element_type3A_68 = arith.sitofp %convert_element_type3A : vector<512x1xi32> to vector<512x1xf32>
    %jit3A_69 = arith.constant 0.000000e+00 : f32
    %broadcast_in_dim3A_70 = vector.shape_cast %convert_element_type3A_68 : vector<512x1xf32> to vector<512x1xf32>
    %broadcast_in_dim3A_71 = vector.broadcast %broadcast_in_dim3A_70 : vector<512x1xf32> to vector<512x2048xf32>
    %broadcast_in_dim3A_72 = vector.broadcast %jit3A_69 : f32 to vector<512x2048xf32>
    %select_n3A_73 = arith.select %eq3A_58, %broadcast_in_dim3A_71, %broadcast_in_dim3A_72 : vector<512x2048xi1>, vector<512x2048xf32>
    %get3A_74 = arith.constant 0 : index
    %get3A_75 = arith.constant 0 : index
    %get3A_76 = vector.load %arg3[%get3A_74, %get3A_75] : memref<2048x8xf32, #tpu.memory_space<vmem>>, vector<2048x8xf32>
    %dot_general3A = arith.constant dense<0.000000e+00> : vector<8x512xf32>
    %dot_general3A_77 = tpu.matmul %get3A_76, %select_n3A_73, %dot_general3A {dimension_numbers = #tpu.dot_dimension_numbers<[0], [1], [1], [0], [0, 1, 1, 0], [], []>, transpose_lhs_hint = false} : vector<2048x8xf32>, vector<512x2048xf32>, vector<8x512xf32> -> vector<8x512xf32>
    %swap3A = arith.constant 0 : index
    %swap3A_78 = arith.constant 0 : index
    %swap3A_79 = vector.load %arg4[%swap3A, %swap3A_78] : memref<8x512xf32, #tpu.memory_space<vmem>>, vector<8x512xf32>
    tpu.vector_store %arg4[%swap3A, %swap3A_78], %dot_general3A_77 {strides = array<i32>} : memref<8x512xf32, #tpu.memory_space<vmem>>, vector<8x512xf32>,
    return
  }
  func.func @transform_0(%arg0: i32) -> (i32, i32) {
    %c0_i32 = arith.constant 0 : i32
    %c0_i32_0 = arith.constant 0 : i32
    return %arg0, %c0_i32 : i32, i32
  }
  func.func @transform_1(%arg0: i32) -> (i32, i32) {
    %c0_i32 = arith.constant 0 : i32
    %c0_i32_0 = arith.constant 0 : i32
    %c0_i32_1 = arith.constant 0 : i32
    return %c0_i32, %c0_i32_0 : i32, i32
  }
  func.func @transform_2(%arg0: i32) -> (i32, i32) {
    %c0_i32 = arith.constant 0 : i32
    %c0_i32_0 = arith.constant 0 : i32
    %c0_i32_1 = arith.constant 0 : i32
    return %c0_i32, %c0_i32_0 : i32, i32
  }
  func.func @transform_3(%arg0: i32) -> (i32, i32) {
    %c0_i32 = arith.constant 0 : i32
    %c0_i32_0 = arith.constant 0 : i32
    return %c0_i32, %arg0 : i32, i32
  }
}

module attributes {stable_mosaic.version = 14 : i64} {
  func.func @_final_body(%arg0: memref<8x5120xf32, #tpu.memory_space<vmem>>, %arg1: memref<8x5120xf32, #tpu.memory_space<vmem>>, %arg2: memref<2x2048xf32, #tpu.memory_space<vmem>>, %arg3: memref<8x128xf32, #tpu.memory_space<vmem>>) attributes {dimension_semantics = [], scalar_prefetch = 0 : i64, scratch_operands = 0 : i64, tpu.core_type = #tpu.core_type<tc>} {
    %get3A = arith.constant 0 : index
    %get3A_0 = arith.constant 0 : index
    %get3A_1 = vector.load %arg0[%get3A, %get3A_0] : memref<8x5120xf32, #tpu.memory_space<vmem>>, vector<1x5120xf32>
    %get3A_2 = arith.constant 1 : index
    %get3A_3 = arith.constant 0 : index
    %get3A_4 = vector.load %arg0[%get3A_2, %get3A_3] : memref<8x5120xf32, #tpu.memory_space<vmem>>, vector<1x5120xf32>
    %get3A_5 = arith.constant 2 : index
    %get3A_6 = arith.constant 0 : index
    %get3A_7 = vector.load %arg0[%get3A_5, %get3A_6] : memref<8x5120xf32, #tpu.memory_space<vmem>>, vector<1x5120xf32>
    %get3A_8 = arith.constant 3 : index
    %get3A_9 = arith.constant 0 : index
    %get3A_10 = vector.load %arg0[%get3A_8, %get3A_9] : memref<8x5120xf32, #tpu.memory_space<vmem>>, vector<1x5120xf32>
    %get3A_11 = arith.constant 4 : index
    %get3A_12 = arith.constant 0 : index
    %get3A_13 = vector.load %arg0[%get3A_11, %get3A_12] : memref<8x5120xf32, #tpu.memory_space<vmem>>, vector<1x5120xf32>
    %get3A_14 = arith.constant 5 : index
    %get3A_15 = arith.constant 0 : index
    %get3A_16 = vector.load %arg0[%get3A_14, %get3A_15] : memref<8x5120xf32, #tpu.memory_space<vmem>>, vector<1x5120xf32>
    %get3A_17 = arith.constant 0 : index
    %get3A_18 = arith.constant 0 : index
    %get3A_19 = vector.load %arg1[%get3A_17, %get3A_18] : memref<8x5120xf32, #tpu.memory_space<vmem>>, vector<1x5120xf32>
    %get3A_20 = arith.constant 1 : index
    %get3A_21 = arith.constant 0 : index
    %get3A_22 = vector.load %arg1[%get3A_20, %get3A_21] : memref<8x5120xf32, #tpu.memory_space<vmem>>, vector<1x5120xf32>
    %get3A_23 = arith.constant 2 : index
    %get3A_24 = arith.constant 0 : index
    %get3A_25 = vector.load %arg1[%get3A_23, %get3A_24] : memref<8x5120xf32, #tpu.memory_space<vmem>>, vector<1x5120xf32>
    %get3A_26 = arith.constant 3 : index
    %get3A_27 = arith.constant 0 : index
    %get3A_28 = vector.load %arg1[%get3A_26, %get3A_27] : memref<8x5120xf32, #tpu.memory_space<vmem>>, vector<1x5120xf32>
    %get3A_29 = arith.constant 4 : index
    %get3A_30 = arith.constant 0 : index
    %get3A_31 = vector.load %arg1[%get3A_29, %get3A_30] : memref<8x5120xf32, #tpu.memory_space<vmem>>, vector<1x5120xf32>
    %round3A = math.roundeven %get3A_31 : vector<1x5120xf32>
    %get3A_32 = arith.constant 5 : index
    %get3A_33 = arith.constant 0 : index
    %get3A_34 = vector.load %arg1[%get3A_32, %get3A_33] : memref<8x5120xf32, #tpu.memory_space<vmem>>, vector<1x5120xf32>
    %gt3A = arith.constant 5.000000e-01 : f32
    %gt3A_35 = vector.broadcast %gt3A : f32 to vector<1x5120xf32>
    %gt3A_36 = arith.cmpf ogt, %get3A_34, %gt3A_35 : vector<1x5120xf32>
    %iota3A = tpu.iota {dimensions = array<i32: 1>} : vector<1x5120xi32>
    %lt3A = arith.constant 5000 : i32
    %lt3A_37 = vector.broadcast %lt3A : i32 to vector<1x5120xi32>
    %lt3A_38 = arith.cmpi slt, %iota3A, %lt3A_37 : vector<1x5120xi32>
    %jit3A = arith.constant 5.000000e-01 : f32
    %broadcast_in_dim3A = vector.broadcast %jit3A : f32 to vector<1x5120xf32>
    %select_n3A = arith.select %gt3A_36, %get3A_13, %broadcast_in_dim3A : vector<1x5120xi1>, vector<1x5120xf32>
    %eq3A = arith.cmpf oeq, %get3A_16, %round3A : vector<1x5120xf32>
    %log3A = math.log %select_n3A : vector<1x5120xf32>
    %neg3A = arith.constant 0.000000e+00 : f32
    %neg3A_39 = vector.broadcast %neg3A : f32 to vector<1x5120xf32>
    %neg3A_40 = arith.subf %neg3A_39, %log3A : vector<1x5120xf32>
    %neg3A_41 = arith.constant 0.000000e+00 : f32
    %neg3A_42 = vector.broadcast %neg3A_41 : f32 to vector<1x5120xf32>
    %neg3A_43 = arith.subf %neg3A_42, %select_n3A : vector<1x5120xf32>
    %log1p3A = math.log1p %neg3A_43 : vector<1x5120xf32>
    %max3A = arith.constant -1.000000e+02 : f32
    %max3A_44 = vector.broadcast %max3A : f32 to vector<1x5120xf32>
    %max3A_45 = arith.maximumf %log1p3A, %max3A_44 : vector<1x5120xf32>
    %sub3A = arith.constant 1.000000e+02 : f32
    %sub3A_46 = vector.broadcast %sub3A : f32 to vector<1x5120xf32>
    %sub3A_47 = arith.subf %sub3A_46, %max3A_45 : vector<1x5120xf32>
    %select_n3A_48 = arith.select %eq3A, %neg3A_40, %sub3A_47 : vector<1x5120xi1>, vector<1x5120xf32>
    %mul3A = arith.mulf %get3A_34, %select_n3A_48 : vector<1x5120xf32>
    %not3A = arith.constant dense<true> : vector<1x5120xi1>
    %not3A_49 = arith.xori %gt3A_36, %not3A : vector<1x5120xi1>
    %and3A = arith.andi %lt3A_38, %not3A_49 : vector<1x5120xi1>
    %jit3A_50 = arith.constant 5.000000e-01 : f32
    %broadcast_in_dim3A_51 = vector.broadcast %jit3A_50 : f32 to vector<1x5120xf32>
    %select_n3A_52 = arith.select %and3A, %get3A_13, %broadcast_in_dim3A_51 : vector<1x5120xi1>, vector<1x5120xf32>
    %log3A_53 = math.log %select_n3A_52 : vector<1x5120xf32>
    %jit3A_54 = arith.constant 0.000000e+00 : f32
    %broadcast_in_dim3A_55 = vector.broadcast %jit3A_54 : f32 to vector<1x5120xf32>
    %select_n3A_56 = arith.select %and3A, %log3A_53, %broadcast_in_dim3A_55 : vector<1x5120xi1>, vector<1x5120xf32>
    %sub3A_57 = arith.subf %get3A_7, %get3A_1 : vector<1x5120xf32>
    %sub3A_58 = arith.subf %get3A_10, %get3A_4 : vector<1x5120xf32>
    %add3A = arith.constant 1.000000e-07 : f32
    %add3A_59 = vector.broadcast %add3A : f32 to vector<1x5120xf32>
    %add3A_60 = arith.addf %sub3A_58, %add3A_59 : vector<1x5120xf32>
    %sub3A_61 = arith.subf %get3A_25, %get3A_19 : vector<1x5120xf32>
    %sub3A_62 = arith.subf %get3A_28, %get3A_22 : vector<1x5120xf32>
    %add3A_63 = arith.constant 1.000000e-07 : f32
    %add3A_64 = vector.broadcast %add3A_63 : f32 to vector<1x5120xf32>
    %add3A_65 = arith.addf %sub3A_62, %add3A_64 : vector<1x5120xf32>
    %min3A = arith.minimumf %get3A_7, %get3A_25 : vector<1x5120xf32>
    %max3A_66 = arith.maximumf %get3A_1, %get3A_19 : vector<1x5120xf32>
    %sub3A_67 = arith.subf %min3A, %max3A_66 : vector<1x5120xf32>
    %max3A_68 = arith.constant 0.000000e+00 : f32
    %max3A_69 = vector.broadcast %max3A_68 : f32 to vector<1x5120xf32>
    %max3A_70 = arith.maximumf %sub3A_67, %max3A_69 : vector<1x5120xf32>
    %min3A_71 = arith.minimumf %get3A_10, %get3A_28 : vector<1x5120xf32>
    %max3A_72 = arith.maximumf %get3A_4, %get3A_22 : vector<1x5120xf32>
    %sub3A_73 = arith.subf %min3A_71, %max3A_72 : vector<1x5120xf32>
    %max3A_74 = arith.constant 0.000000e+00 : f32
    %max3A_75 = vector.broadcast %max3A_74 : f32 to vector<1x5120xf32>
    %max3A_76 = arith.maximumf %sub3A_73, %max3A_75 : vector<1x5120xf32>
    %mul3A_77 = arith.mulf %max3A_70, %max3A_76 : vector<1x5120xf32>
    %mul3A_78 = arith.mulf %sub3A_57, %add3A_60 : vector<1x5120xf32>
    %mul3A_79 = arith.mulf %sub3A_61, %add3A_65 : vector<1x5120xf32>
    %add3A_80 = arith.addf %mul3A_78, %mul3A_79 : vector<1x5120xf32>
    %sub3A_81 = arith.subf %add3A_80, %mul3A_77 : vector<1x5120xf32>
    %add3A_82 = arith.constant 1.000000e-07 : f32
    %add3A_83 = vector.broadcast %add3A_82 : f32 to vector<1x5120xf32>
    %add3A_84 = arith.addf %sub3A_81, %add3A_83 : vector<1x5120xf32>
    %div3A = arith.divf %mul3A_77, %add3A_84 : vector<1x5120xf32>
    %max3A_85 = arith.maximumf %get3A_7, %get3A_25 : vector<1x5120xf32>
    %min3A_86 = arith.minimumf %get3A_1, %get3A_19 : vector<1x5120xf32>
    %sub3A_87 = arith.subf %max3A_85, %min3A_86 : vector<1x5120xf32>
    %max3A_88 = arith.maximumf %get3A_10, %get3A_28 : vector<1x5120xf32>
    %min3A_89 = arith.minimumf %get3A_4, %get3A_22 : vector<1x5120xf32>
    %sub3A_90 = arith.subf %max3A_88, %min3A_89 : vector<1x5120xf32>
    %mul3A_91 = arith.mulf %sub3A_87, %sub3A_87 : vector<1x5120xf32>
    %mul3A_92 = arith.mulf %sub3A_90, %sub3A_90 : vector<1x5120xf32>
    %add3A_93 = arith.addf %mul3A_91, %mul3A_92 : vector<1x5120xf32>
    %add3A_94 = arith.constant 1.000000e-07 : f32
    %add3A_95 = vector.broadcast %add3A_94 : f32 to vector<1x5120xf32>
    %add3A_96 = arith.addf %add3A_93, %add3A_95 : vector<1x5120xf32>
    %add3A_97 = arith.addf %get3A_19, %get3A_25 : vector<1x5120xf32>
    %sub3A_98 = arith.subf %add3A_97, %get3A_1 : vector<1x5120xf32>
    %sub3A_99 = arith.subf %sub3A_98, %get3A_7 : vector<1x5120xf32>
    %integer_pow3A = arith.mulf %sub3A_99, %sub3A_99 : vector<1x5120xf32>
    %add3A_100 = arith.addf %get3A_22, %get3A_28 : vector<1x5120xf32>
    %sub3A_101 = arith.subf %add3A_100, %get3A_4 : vector<1x5120xf32>
    %sub3A_102 = arith.subf %sub3A_101, %get3A_10 : vector<1x5120xf32>
    %integer_pow3A_103 = arith.mulf %sub3A_102, %sub3A_102 : vector<1x5120xf32>
    %add3A_104 = arith.addf %integer_pow3A, %integer_pow3A_103 : vector<1x5120xf32>
    %div3A_105 = arith.constant 4.000000e+00 : f32
    %div3A_106 = vector.broadcast %div3A_105 : f32 to vector<1x5120xf32>
    %div3A_107 = arith.divf %add3A_104, %div3A_106 : vector<1x5120xf32>
    %atan23A = math.atan2 %sub3A_61, %add3A_65 : vector<1x5120xf32>
    %atan23A_108 = math.atan2 %sub3A_57, %add3A_60 : vector<1x5120xf32>
    %sub3A_109 = arith.subf %atan23A, %atan23A_108 : vector<1x5120xf32>
    %integer_pow3A_110 = arith.mulf %sub3A_109, %sub3A_109 : vector<1x5120xf32>
    %mul3A_111 = arith.constant 0.405284733 : f32
    %mul3A_112 = vector.broadcast %mul3A_111 : f32 to vector<1x5120xf32>
    %mul3A_113 = arith.mulf %mul3A_112, %integer_pow3A_110 : vector<1x5120xf32>
    %sub3A_114 = arith.subf %mul3A_113, %div3A : vector<1x5120xf32>
    %add3A_115 = arith.constant 1.00000012 : f32
    %add3A_116 = vector.broadcast %add3A_115 : f32 to vector<1x5120xf32>
    %add3A_117 = arith.addf %sub3A_114, %add3A_116 : vector<1x5120xf32>
    %div3A_118 = arith.divf %mul3A_113, %add3A_117 : vector<1x5120xf32>
    %div3A_119 = arith.divf %div3A_107, %add3A_96 : vector<1x5120xf32>
    %mul3A_120 = arith.mulf %mul3A_113, %div3A_118 : vector<1x5120xf32>
    %add3A_121 = arith.addf %div3A_119, %mul3A_120 : vector<1x5120xf32>
    %sub3A_122 = arith.subf %div3A, %add3A_121 : vector<1x5120xf32>
    %sub3A_123 = arith.constant 1.000000e+00 : f32
    %sub3A_124 = vector.broadcast %sub3A_123 : f32 to vector<1x5120xf32>
    %sub3A_125 = arith.subf %sub3A_124, %sub3A_122 : vector<1x5120xf32>
    %mul3A_126 = arith.mulf %get3A_34, %sub3A_125 : vector<1x5120xf32>
    %reduce_sum3A = vector.shape_cast %get3A_34 : vector<1x5120xf32> to vector<1x1x5120xf32>
    %reduce_sum3A_127 = arith.constant dense<0.000000e+00> : vector<1xf32>
    %reduce_sum3A_128 = vector.multi_reduction <add>, %reduce_sum3A, %reduce_sum3A_127 [1, 2] : vector<1x1x5120xf32> to vector<1xf32>
    %reduce_sum3A_129 = vector.shape_cast %reduce_sum3A_128 : vector<1xf32> to vector<1x1x1xf32>
    %reduce_sum3A_130 = vector.extract %reduce_sum3A_129[0, 0, 0] : f32 from vector<1x1x1xf32>
    %reduce_sum3A_131 = vector.shape_cast %mul3A : vector<1x5120xf32> to vector<1x1x5120xf32>
    %reduce_sum3A_132 = arith.constant dense<0.000000e+00> : vector<1xf32>
    %reduce_sum3A_133 = vector.multi_reduction <add>, %reduce_sum3A_131, %reduce_sum3A_132 [1, 2] : vector<1x1x5120xf32> to vector<1xf32>
    %reduce_sum3A_134 = vector.shape_cast %reduce_sum3A_133 : vector<1xf32> to vector<1x1x1xf32>
    %reduce_sum3A_135 = vector.extract %reduce_sum3A_134[0, 0, 0] : f32 from vector<1x1x1xf32>
    %reduce_sum3A_136 = vector.shape_cast %select_n3A_56 : vector<1x5120xf32> to vector<1x1x5120xf32>
    %reduce_sum3A_137 = arith.constant dense<0.000000e+00> : vector<1xf32>
    %reduce_sum3A_138 = vector.multi_reduction <add>, %reduce_sum3A_136, %reduce_sum3A_137 [1, 2] : vector<1x1x5120xf32> to vector<1xf32>
    %reduce_sum3A_139 = vector.shape_cast %reduce_sum3A_138 : vector<1xf32> to vector<1x1x1xf32>
    %reduce_sum3A_140 = vector.extract %reduce_sum3A_139[0, 0, 0] : f32 from vector<1x1x1xf32>
    %reduce_sum3A_141 = vector.shape_cast %mul3A_126 : vector<1x5120xf32> to vector<1x1x5120xf32>
    %reduce_sum3A_142 = arith.constant dense<0.000000e+00> : vector<1xf32>
    %reduce_sum3A_143 = vector.multi_reduction <add>, %reduce_sum3A_141, %reduce_sum3A_142 [1, 2] : vector<1x1x5120xf32> to vector<1xf32>
    %reduce_sum3A_144 = vector.shape_cast %reduce_sum3A_143 : vector<1xf32> to vector<1x1x1xf32>
    %reduce_sum3A_145 = vector.extract %reduce_sum3A_144[0, 0, 0] : f32 from vector<1x1x1xf32>
    %get3A_146 = arith.constant 0 : index
    %get3A_147 = arith.constant 0 : index
    %get3A_148 = vector.load %arg2[%get3A_146, %get3A_147] : memref<2x2048xf32, #tpu.memory_space<vmem>>, vector<1x2048xf32>
    %get3A_149 = arith.constant 1 : index
    %get3A_150 = arith.constant 0 : index
    %get3A_151 = vector.load %arg2[%get3A_149, %get3A_150] : memref<2x2048xf32, #tpu.memory_space<vmem>>, vector<1x2048xf32>
    %add3A_152 = arith.addf %get3A_148, %get3A_151 : vector<1x2048xf32>
    %gt3A_153 = arith.constant 0.000000e+00 : f32
    %gt3A_154 = vector.broadcast %gt3A_153 : f32 to vector<1x2048xf32>
    %gt3A_155 = arith.cmpf ogt, %add3A_152, %gt3A_154 : vector<1x2048xf32>
    %convert_element_type3A = arith.extui %gt3A_155 : vector<1x2048xi1> to vector<1x2048xi32>
    %convert_element_type3A_156 = arith.sitofp %convert_element_type3A : vector<1x2048xi32> to vector<1x2048xf32>
    %reduce_sum3A_157 = vector.shape_cast %convert_element_type3A_156 : vector<1x2048xf32> to vector<1x1x2048xf32>
    %reduce_sum3A_158 = arith.constant dense<0.000000e+00> : vector<1xf32>
    %reduce_sum3A_159 = vector.multi_reduction <add>, %reduce_sum3A_157, %reduce_sum3A_158 [1, 2] : vector<1x1x2048xf32> to vector<1xf32>
    %reduce_sum3A_160 = vector.shape_cast %reduce_sum3A_159 : vector<1xf32> to vector<1x1x1xf32>
    %reduce_sum3A_161 = vector.extract %reduce_sum3A_160[0, 0, 0] : f32 from vector<1x1x1xf32>
    %max3A_162 = arith.constant 1.000000e+00 : f32
    %max3A_163 = arith.maximumf %reduce_sum3A_130, %max3A_162 : f32
    %mul3A_164 = arith.constant 8.000000e+01 : f32
    %mul3A_165 = arith.mulf %max3A_163, %mul3A_164 : f32
    %div3A_166 = arith.divf %reduce_sum3A_135, %mul3A_165 : f32
    %sub3A_167 = arith.subf %div3A_166, %reduce_sum3A_140 : f32
    %sub3A_168 = arith.constant 2.000000e+03 : f32
    %sub3A_169 = arith.subf %sub3A_168, %reduce_sum3A_161 : f32
    %add3A_170 = arith.addf %sub3A_167, %sub3A_169 : f32
    %mul3A_171 = arith.constant 5.000000e-01 : f32
    %mul3A_172 = arith.mulf %mul3A_171, %add3A_170 : f32
    %mul3A_173 = arith.constant 7.500000e+00 : f32
    %mul3A_174 = arith.mulf %mul3A_173, %reduce_sum3A_145 : f32
    %div3A_175 = arith.divf %mul3A_174, %max3A_163 : f32
    %add3A_176 = arith.addf %mul3A_172, %div3A_175 : f32
    %broadcast_in_dim3A_177 = vector.broadcast %add3A_176 : f32 to vector<8x128xf32>
    %swap3A = arith.constant 0 : index
    %swap3A_178 = arith.constant 0 : index
    %swap3A_179 = vector.load %arg3[%swap3A, %swap3A_178] : memref<8x128xf32, #tpu.memory_space<vmem>>, vector<8x128xf32>
    tpu.vector_store %arg3[%swap3A, %swap3A_178], %broadcast_in_dim3A_177 {strides = array<i32>} : memref<8x128xf32, #tpu.memory_space<vmem>>, vector<8x128xf32>,
    return
  }
}

</mosaic_0001>

<sc_bundles>
// kernel: kernel.5.cloned.1.call-start
scs
__scs_entry_jumppad:
0x0: {  	(pc) =	sbr.rel $0x88, $3  }
0x1: {  	(tag) =	ssettag $0x0;
	lr =	simm.s32 $0x1  }
0x2: {  	[smem:$0x3F9F] =	sst lr;
	_ =	strace $0xD0000000  }
0x3: {  	_ = 	snop  }
0x4: {  	_ = 	snop  }
0x5: {  	_ = 	snop  }
0x6: {  	_ = 	snop  }
0x7: {  	_ = 	snop  }
__scs_overlays_trampoline_lowered:
0x8: {  	[smem:$0x3FAE] =	sst s0  }
0x9: {  	[smem:$0x3FAF] =	sst s1  }
0xa: {  	[smem:$0x3FB0] =	sst s2  }
0xb: {  	[smem:$0x3FB1] =	sst s3  }
0xc: {  	[smem:$0x3FB2] =	sst s4  }
0xd: {  	[smem:$0x3FB3] =	sst s5  }
0xe: {  	[smem:$0x3FB4] =	sst s6  }
0xf: {  	[smem:$0x3FB5] =	sst s7  }
0x10: {  	[smem:$0x3FB6] =	sst s8  }
0x11: {  	[smem:$0x3FB7] =	sst s9;
	s0 =	simm.s32 @!p0 $0x0  }
0x12: {  	s1 =	sld [smem:$0x3F9D];
	s0 =	simm.s32 @p0 $0x1  }
0x13: {  	[smem:$0x3FB8] =	sst s0;
	s0 =	simm.s32 @!p1 $0x0  }
0x14: {  	s2 =	sld [smem:$0x3F9C];
	s0 =	simm.s32 @p1 $0x1  }
0x15: {  	[smem:$0x3FB9] =	sst s0;
	s0 =	simm.s32 @!p2 $0x0  }
0x16: {  	s3 =	sld [smem:$0x3FDB];
	s0 =	simm.s32 @p2 $0x1  }
0x17: {  	s4 =	simm.s32 $0x1BF5;
	[smem:$0x3FBB] =	sst s0  }
0x18: {  	s0 =	sld [smem:$0x3F9E];
	_ =	swait.ge [sflag:s4], $0x0  }
0x19: {  	s7 =	sld [smem:$0x3F9F]  }
0x1a: {  	s8 =	sadd.s32 $0xFFFFE003, lr  }
0x1b: {  	s9 =	sadd.s32 $0xFFFFFEF7, lr;
	s5 =	simm.s32 $0xFFFFFFFF;
	p2 =	slt.u32 s8, $0xFFFFF086  }
0x1c: {  	p1 =	slt.u32 s9, $0xF7A;
	s5 =	simm.s32 @!p2 $0x0  }
0x1d: {  	s5 =	simm.s32 @p1 $0x1;
	p0 =	seq.s32 s7, s2  }
0x1e: {  	s7 =	smul.u32 @!p0 $0xF7A, s2;
	p2 =	seq.s32 @!p0 s5, $0x0  }
0x1f: {  	s9 =	smul.u32 $0xF7A, s1;
	s8 =	simm.s32 @!p0 $0x1BF5;
	p2 =	por !p2, p0  }
0x20: {  	[sflag:s8] =	ssyncset.s32 @!p0 $0xFFFFF086;
	s6 =	sadd.s32 @!p0 s3, s7;
	s7 =	simm.s32 @!p0 $0x108  }
0x21: {  	s3 =	sadd.s32 s3, s9;
	s6 =	sadd.s32 @!p0 $0x88, s6;
	s7 =	simm.s32 @p2 $0x1082  }
0x22: {  	[simem:s7], [sflag:s8] =	dma.local @!p0 [hbm:s6], $0xF7A  }
0x23: {  	s9 =	sor.u32 $0xD0000000, s2;
	s6 =	simm.s32 $0x108;
	_ =	swait.ge @!p0 [sflag:s8], $0x0  }
0x24: {  	s3 =	sadd.s32 $0x88, s3;
	s6 =	simm.s32 @!p1 $0x1082;
	[sflag:s4] =	ssyncset.s32 $0xFFFFF086  }
0x25: {  	[simem:s6], [sflag:s4] =	dma.local [hbm:s3], $0xF7A  }
0x26: {  	[smem:$0x3F9F] =	sst s1;
	(tag) =	ssettag s2;
	_ =	strace s9  }
0x27: {  	s1 =	sld [smem:$0x3FAF]  }
0x28: {  	s2 =	sld [smem:$0x3FB0]  }
0x29: {  	s4 =	sld [smem:$0x3FB2]  }
0x2a: {  	p0 =	seq.s32 s5, $0x0;
	s5 =	sld [smem:$0x3FB3]  }
0x2b: {  	s6 =	sld [smem:$0x3FB4]  }
0x2c: {  	s7 =	sld [smem:$0x3FB5]  }
0x2d: {  	s3 =	simm.s32 $0x108;
	s8 =	sld [smem:$0x3FB6]  }
0x2e: {  	s3 =	simm.s32 @!p0 $0x1082;
	s9 =	sld [smem:$0x3FB7]  }
0x2f: {  	lr =	sadd.s32 s0, s3;
	s0 =	sld [smem:$0x3FAE]  }
0x30: {  	s3 =	sld [smem:$0x3FB1]  }
0x31: {  	[smem:$0x3FBA] =	sst s10  }
0x32: {  	s10 =	sld [smem:$0x3FB8];
	_ =	sdelay $0x3  }
0x33: {  	p0 =	seq.s32 s10, $0x1;
	s10 =	sld [smem:$0x3FBA];
	_ =	sdelay $0x3  }
0x34: {  	[smem:$0x3FBA] =	sst s10  }
0x35: {  	s10 =	sld [smem:$0x3FB9];
	_ =	sdelay $0x3  }
0x36: {  	p1 =	seq.s32 s10, $0x1;
	s10 =	sld [smem:$0x3FBA];
	_ =	sdelay $0x3  }
0x37: {  	[smem:$0x3FBA] =	sst s10  }
0x38: {  	s10 =	sld [smem:$0x3FBB]  }
0x39: {  	_ = 	snop;
	(pc) =	sbr.ind lr, $3  }
0x3a: {  	_ = 	snop  }
0x3b: {  	_ = 	snop  }
0x3c: {  	p2 =	seq.s32 s10, $0x1;
	s10 =	sld [smem:$0x3FBA]  }
0x3d: {  	_ =	shalt  }
0x3e: {  	_ =	shalt  }
0x3f: {  	_ =	shalt  }
0x40: {  	_ =	shalt  }
0x41: {  	_ =	shalt  }
0x42: {  	_ =	shalt  }
0x43: {  	_ =	shalt  }
0x44: {  	_ =	shalt  }
0x45: {  	_ =	shalt  }
0x46: {  	_ =	shalt  }
0x47: {  	_ =	shalt  }
0x48: {  	_ =	shalt  }
0x49: {  	_ =	shalt  }
0x4a: {  	_ =	shalt  }
0x4b: {  	_ =	shalt  }
0x4c: {  	_ =	shalt  }
0x4d: {  	_ =	shalt  }
0x4e: {  	_ =	shalt  }
0x4f: {  	_ =	shalt  }
0x50: {  	_ =	shalt  }
0x51: {  	_ =	shalt  }
0x52: {  	_ =	shalt  }
0x53: {  	_ =	shalt  }
0x54: {  	_ =	shalt  }
0x55: {  	_ =	shalt  }
0x56: {  	_ =	shalt  }
0x57: {  	_ =	shalt  }
0x58: {  	_ =	shalt  }
0x59: {  	_ =	shalt  }
0x5a: {  	_ =	shalt  }
0x5b: {  	_ =	shalt  }
0x5c: {  	_ =	shalt  }
0x5d: {  	_ =	shalt  }
0x5e: {  	_ =	shalt  }
0x5f: {  	_ =	shalt  }
0x60: {  	_ =	shalt  }
0x61: {  	_ =	shalt  }
0x62: {  	_ =	shalt  }
0x63: {  	_ =	shalt  }
0x64: {  	_ =	shalt  }
0x65: {  	_ =	shalt  }
0x66: {  	_ =	shalt  }
0x67: {  	_ =	shalt  }
0x68: {  	_ =	shalt  }
0x69: {  	_ =	shalt  }
0x6a: {  	_ =	shalt  }
0x6b: {  	_ =	shalt  }
0x6c: {  	_ =	shalt  }
0x6d: {  	_ =	shalt  }
0x6e: {  	_ =	shalt  }
0x6f: {  	_ =	shalt  }
0x70: {  	_ =	shalt  }
0x71: {  	_ =	shalt  }
0x72: {  	_ =	shalt  }
0x73: {  	_ =	shalt  }
0x74: {  	_ =	shalt  }
0x75: {  	_ =	shalt  }
0x76: {  	_ =	shalt  }
0x77: {  	_ =	shalt  }
0x78: {  	_ =	shalt  }
0x79: {  	_ =	shalt  }
0x7a: {  	_ =	shalt  }
0x7b: {  	_ =	shalt  }
0x7c: {  	_ =	shalt  }
0x7d: {  	_ =	shalt  }
0x7e: {  	_ =	shalt  }
0x7f: {  	_ =	shalt  }
0x80: {  	_ =	shalt  }
0x81: {  	_ =	shalt  }
0x82: {  	_ =	shalt  }
0x83: {  	_ =	shalt  }
0x84: {  	_ =	shalt  }
0x85: {  	_ =	shalt  }
0x86: {  	_ =	shalt  }
0x87: {  	_ =	shalt  }
.Lfunc_end0:
.L_simem_size_0:
called_computation_lowered:
.L_overlay_start_0:
0x88: {  	s2 =	sld [smem:$0x3FD9]  }
0x89: {  	s3 =	sld [smem:$0x3FFE];
	_ =	sdelay $0x1  }
0x8a: {  	s1 =	srdreg.scid  }
0x8b: {  	s0 =	sand.u32 $0x1, s1  }
0x8c: {  	s16 =	sshll.u32 s0, $0xA;
	s2 =	sadd.s32 s3, s2  }
0x8d: {  	s2 =	sadd.s32 s2, s16  }
0x8e: {  	[smem:$0x3FC6] =	sst s2  }
0x8f: {  	_ = 	snop  }
0x90: {  	(tm) =	ssettm $0x1  }
0x91: {  	s17 =	sld [smem:$0x3FFB];
	_ =	sdelay $0x3  }
0x92: {  	_ =	strace s17  }
0x93: {  	s2 =	sld [smem:$0x3FFC];
	_ =	sdelay $0x3  }
0x94: {  	_ =	strace s2  }
0x95: {  	s2 =	sld [smem:$0x3FFD];
	_ =	sdelay $0x3  }
0x96: {  	_ =	strace s2  }
0x97: {  	_ =	strace $0x8FFFFFFF  }
0x98: {  	s18 =	sld [smem:$0x3FDB];
	_ =	sdelay $0x1  }
0x99: {  	s19 =	simm.s32 $_scs_section_size  }
0x9a: {  	s4 =	simm.s32 $_size__tile_overlayer_lowered;
	s5 =	simm.s32 $_tile_overlayer_lowered  }
0x9b: {  	s22 =	simm.s32 $0x1BFF;
	s21 =	sshll.u32 s5, $0x1;
	s2 =	sadd.s32 s19, s18  }
0x9c: {  	s6 =	simm.s32 $0x0;
	s20 =	sshll.u32 s4, $0x1;
	s4 =	sadd.s32 s21, s2  }
0x9d: {  	[timem:s6], [sflag:s22] =	dma.local [hbm:s4], s20  }
0x9e: {  	_ =	swait.ge [sflag:s22], s20  }
0x9f: {  	s3 =	ssub.s32 $0x0, s20;
	[sflag:s22] =	ssyncset.done $0x0  }
0xa0: {  	[sflag:s22] =	ssyncadd.s32 s3;
	_ =	sdelay $0x1  }
0xa1: {  	s23 =	simm.s32 $0x1B8B  }
0xa2: {  	_ =	swait.ge [sflag:s23], $0x1  }
0xa3: {  	[sflag:s23] =	ssyncset.done $0x0  }
0xa4: {  	s25 =	simm.s32 $0x1B8E;
	s24 =	sld [smem:$0x3FFE];
	[sflag:s23] =	ssyncadd.s32 $0xFFFFFFFF  }
0xa5: {  	s26 =	simm.s32 $execute0_lowered;
	[smem:$0x3FD2] =	sst s25  }
0xa6: {  	s4 =	sshll.u32 s26, $0x1;
	_ =	strace $0x80000046;
	[dreg:$0x1] =	wrdreg $0xFFFFFFFF  }
0xa7: {  	s28 =	simm.s32 $_size_execute0_lowered;
	s2 =	sadd.s32 s2, s4;
	[dreg:$0x0] =	wrdreg $0x0  }
0xa8: {  	s4 =	sshll.u32 s28, $0x1;
	[dreg:$0x2] =	wrdreg s2  }
0xa9: {  	[dreg:$0x3] =	wrdreg s4  }
0xaa: {  	[dreg:$0x4] =	wrdreg $0xC0  }
0xab: {  	_ =	task [dreg:s6], $0x5FFFF  }
0xac: {  	[dreg:$0x1] =	wrdreg $0xFFFFFFFF  }
0xad: {  	[dreg:$0x0] =	wrdreg $0x60  }
0xae: {  	[dreg:$0x2] =	wrdreg s24  }
0xaf: {  	[dreg:$0x3] =	wrdreg $0xA000  }
0xb0: {  	[dreg:$0x4] =	wrdreg $0x9  }
0xb1: {  	_ =	task.clear_ibuf [dreg:s6], $0x5FFFF;
	_ =	strace $0x90000046  }
0xb2: {  	s29 =	simm.s32 $0x9;
	_ =	strace $0x80000048  }
0xb3: {  	_ =	swait.ge [sflag:s29], $0x1  }
0xb4: {  	[sflag:s29] =	ssyncadd.s32 $0xFFFFFFFF  }
0xb5: {  	_ =	strace $0x90000048  }
0xb6: {  	_ =	sfence  }
0xb7: {  	s30 =	sld [smem:$0x0];
	_ =	sdelay $0x2  }
0xb8: {  	s31 =	sshll.u32 s1, $0xD;
	s1 =	sshrl.u32 s1, $0x2  }
0xb9: {  	s3 =	sand.u32 $0x4000, s31;
	s1 =	sadd.s32 s1, s30  }
0xba: {  	s0 =	sor.u32 s3, s0;
	s1 =	sshll.u32 s1, $0x11  }
0xbb: {  	s0 =	sor.u32 s1, s0  }
0xbc: {  	s0 =	sadd.s32 $0x8F2B, s0  }
0xbd: {  	[sflag:s0] =	ssyncadd.remote.s32 $0x1  }
0xbe: {  	_ =	sfence.sel $0xFFFF  }
0xbf: {  	[dreg:$0x0] =	wrdreg $0xFFFFFFFF;
	(pc) =	sbr.abs _section_cstart, $3  }
0xc0: {  	[dreg:$0x1] =	wrdreg $0xFFFFFFFF  }
0xc1: {  	_ =	task.clear_ibuf [dreg:s6], $0x2FFFF;
	_ =	strace $0x9FFFFFFF  }
0xc2: {  	(tm) =	ssettm $0x7FFFFFFF  }
0xc3: {  	_ =	shalt  }
tec
execute0_lowered:
.L_overlay_start_1:
0x0: {  	(tag) =	ssettag $0x1  }
0x1: {  	s3 =	rddreg [dreg:$0x0];
	s0 =	srdreg.scid  }
0x2: {  	s7 =	stileid.u32;
	s1 =	rddreg [dreg:$0x1];
	s2 =	simm.s32 $0x0  }
0x3: {  	s4 =	sand.u32 $0x1, s0;
	s5 =	sshll.u32 s7, $0x1;
	s0 =	rddreg [dreg:$0x2]  }
0x4: {  	[smem:$0x7FF] =	sst s2;
	p0 =	sne.s32 s7, $0x0;
	s5 =	sor.u32 s4, s5  }
0x5: {  	s7 =	simm.s32 $0x1;
	_ =	strace $0x80000047;
	s5 =	smul.u32 $0x14, s5  }
0x6: {  	s6 =	sshll.u32 s4, $0x4;
	s4 =	ssub.s32 $0x2, s4;
	s9 =	sshrl.u32 @!p0 s1, $0x3  }
0x7: {  	s6 =	sadd.s32 s6, s3;
	s31 =	sshrl.u32 s4, $0x1;
	s5 =	sadd.s32 s5, s3  }
0x8: {  	s8 =	ssub.s32 s4, s31;
	s3 =	sadd.s32 $0xA00, s5;
	s4 =	sadd.s32 $0x600, s5  }
0x9: {  	v0 =	vimm.f32 $0.0e+00;
	s5 =	sadd.s32 $0xE00, s6;
	s6 =	smax.u32 s8, $0x1;
	s8 =	simm.s32 $0x100  }
.LBB2_1:
0xa: {  	[tilespmem:s2], [sflag:$0x1] =	stream.linear.gather [hbm4b:s3+s2], $0xA0, $0x38;
	[tilespmem:$0xA80] =	vst v63  }
0xb: {  	_ =	swait.ge [sflag:s7], $0xA0  }
0xc: {  	[sflag:s7] =	ssyncset.done $0x0  }
0xd: {  	[sflag:s7] =	ssyncadd.s32 $0xFFFFFF60  }
0xe: {  	[tilespmem:s8], [sflag:$0x1] =	stream.linear.gather [hbm4b:s4+s2], $0xA0, $0x38;
	[tilespmem:$0xA80] =	vst v63  }
0xf: {  	_ =	swait.ge [sflag:s7], $0xA0  }
0x10: {  	[sflag:s7] =	ssyncset.done $0x0  }
0x11: {  	[sflag:s7] =	ssyncadd.s32 $0xFFFFFF60  }
0x12: {  	[tilespmem:$0x200] =	vst v0  }
0x13: {  	[tilespmem:$0x210] =	vst v0  }
0x14: {  	[tilespmem:$0x220] =	vst v0  }
0x15: {  	[tilespmem:$0x230] =	vst v0  }
0x16: {  	[tilespmem:$0x240] =	vst v0  }
0x17: {  	[tilespmem:$0x250] =	vst v0  }
0x18: {  	[tilespmem:$0x260] =	vst v0  }
0x19: {  	[tilespmem:$0x270] =	vst v0  }
0x1a: {  	[tilespmem:$0x280] =	vst v0  }
0x1b: {  	[tilespmem:$0x290] =	vst v0  }
0x1c: {  	[tilespmem:$0x2A0] =	vst v0  }
0x1d: {  	[tilespmem:$0x2B0] =	vst v0  }
0x1e: {  	[tilespmem:$0x2C0] =	vst v0  }
0x1f: {  	[tilespmem:$0x2D0] =	vst v0  }
0x20: {  	[tilespmem:$0x2E0] =	vst v0  }
0x21: {  	[tilespmem:$0x2F0] =	vst v0  }
0x22: {  	[tilespmem:$0x300] =	vst v0  }
0x23: {  	[tilespmem:$0x310] =	vst v0  }
0x24: {  	[tilespmem:$0x320] =	vst v0  }
0x25: {  	[tilespmem:$0x330] =	vst v0  }
0x26: {  	[tilespmem:$0x340] =	vst v0  }
0x27: {  	[tilespmem:$0x350] =	vst v0  }
0x28: {  	[tilespmem:$0x360] =	vst v0  }
0x29: {  	[tilespmem:$0x370] =	vst v0  }
0x2a: {  	[tilespmem:$0x380] =	vst v0  }
0x2b: {  	[tilespmem:$0x390] =	vst v0  }
0x2c: {  	[tilespmem:$0x3A0] =	vst v0  }
0x2d: {  	[tilespmem:$0x3B0] =	vst v0  }
0x2e: {  	[tilespmem:$0x3C0] =	vst v0  }
0x2f: {  	[tilespmem:$0x3D0] =	vst v0  }
0x30: {  	[tilespmem:$0x3E0] =	vst v0  }
0x31: {  	[tilespmem:$0x3F0] =	vst v0  }
0x32: {  	[tilespmem:$0x400] =	vst v0  }
0x33: {  	[tilespmem:$0x410] =	vst v0  }
0x34: {  	[tilespmem:$0x420] =	vst v0  }
0x35: {  	[tilespmem:$0x430] =	vst v0  }
0x36: {  	[tilespmem:$0x440] =	vst v0  }
0x37: {  	[tilespmem:$0x450] =	vst v0  }
0x38: {  	[tilespmem:$0x460] =	vst v0  }
0x39: {  	[tilespmem:$0x470] =	vst v0  }
0x3a: {  	[tilespmem:$0x480] =	vst v0  }
0x3b: {  	[tilespmem:$0x490] =	vst v0  }
0x3c: {  	[tilespmem:$0x4A0] =	vst v0  }
0x3d: {  	[tilespmem:$0x4B0] =	vst v0  }
0x3e: {  	[tilespmem:$0x4C0] =	vst v0  }
0x3f: {  	[tilespmem:$0x4D0] =	vst v0  }
0x40: {  	[tilespmem:$0x4E0] =	vst v0  }
0x41: {  	[tilespmem:$0x4F0] =	vst v0  }
0x42: {  	[tilespmem:$0x500] =	vst v0  }
0x43: {  	[tilespmem:$0x510] =	vst v0  }
0x44: {  	[tilespmem:$0x520] =	vst v0  }
0x45: {  	[tilespmem:$0x530] =	vst v0  }
0x46: {  	[tilespmem:$0x540] =	vst v0  }
0x47: {  	[tilespmem:$0x550] =	vst v0  }
0x48: {  	[tilespmem:$0x560] =	vst v0  }
0x49: {  	[tilespmem:$0x570] =	vst v0  }
0x4a: {  	[tilespmem:$0x580] =	vst v0  }
0x4b: {  	[tilespmem:$0x590] =	vst v0  }
0x4c: {  	[tilespmem:$0x5A0] =	vst v0  }
0x4d: {  	[tilespmem:$0x5B0] =	vst v0  }
0x4e: {  	[tilespmem:$0x5C0] =	vst v0  }
0x4f: {  	[tilespmem:$0x5D0] =	vst v0  }
0x50: {  	[tilespmem:$0x5E0] =	vst v0  }
0x51: {  	[tilespmem:$0x5F0] =	vst v0  }
0x52: {  	[tilespmem:$0x600] =	vst v0  }
0x53: {  	[tilespmem:$0x610] =	vst v0  }
0x54: {  	[tilespmem:$0x620] =	vst v0  }
0x55: {  	[tilespmem:$0x630] =	vst v0  }
0x56: {  	[tilespmem:$0x640] =	vst v0  }
0x57: {  	[tilespmem:$0x650] =	vst v0  }
0x58: {  	[tilespmem:$0x660] =	vst v0  }
0x59: {  	[tilespmem:$0x670] =	vst v0  }
0x5a: {  	[tilespmem:$0x680] =	vst v0  }
0x5b: {  	[tilespmem:$0x690] =	vst v0  }
0x5c: {  	[tilespmem:$0x6A0] =	vst v0  }
0x5d: {  	[tilespmem:$0x6B0] =	vst v0  }
0x5e: {  	[tilespmem:$0x6C0] =	vst v0  }
0x5f: {  	[tilespmem:$0x6D0] =	vst v0  }
0x60: {  	[tilespmem:$0x6E0] =	vst v0  }
0x61: {  	[tilespmem:$0x6F0] =	vst v0  }
0x62: {  	[tilespmem:$0x700] =	vst v0  }
0x63: {  	[tilespmem:$0x710] =	vst v0  }
0x64: {  	[tilespmem:$0x720] =	vst v0  }
0x65: {  	[tilespmem:$0x730] =	vst v0  }
0x66: {  	[tilespmem:$0x740] =	vst v0  }
0x67: {  	[tilespmem:$0x750] =	vst v0  }
0x68: {  	[tilespmem:$0x760] =	vst v0  }
0x69: {  	[tilespmem:$0x770] =	vst v0  }
0x6a: {  	[tilespmem:$0x780] =	vst v0  }
0x6b: {  	[tilespmem:$0x790] =	vst v0  }
0x6c: {  	[tilespmem:$0x7A0] =	vst v0  }
0x6d: {  	[tilespmem:$0x7B0] =	vst v0  }
0x6e: {  	[tilespmem:$0x7C0] =	vst v0  }
0x6f: {  	[tilespmem:$0x7D0] =	vst v0  }
0x70: {  	[tilespmem:$0x7E0] =	vst v0  }
0x71: {  	[tilespmem:$0x7F0] =	vst v0  }
0x72: {  	[tilespmem:$0x800] =	vst v0  }
0x73: {  	[tilespmem:$0x810] =	vst v0  }
0x74: {  	[tilespmem:$0x820] =	vst v0  }
0x75: {  	[tilespmem:$0x830] =	vst v0  }
0x76: {  	[tilespmem:$0x840] =	vst v0  }
0x77: {  	[tilespmem:$0x850] =	vst v0  }
0x78: {  	[tilespmem:$0x860] =	vst v0  }
0x79: {  	[tilespmem:$0x870] =	vst v0  }
0x7a: {  	[tilespmem:$0x880] =	vst v0  }
0x7b: {  	[tilespmem:$0x890] =	vst v0  }
0x7c: {  	[tilespmem:$0x8A0] =	vst v0  }
0x7d: {  	[tilespmem:$0x8B0] =	vst v0  }
0x7e: {  	[tilespmem:$0x8C0] =	vst v0  }
0x7f: {  	[tilespmem:$0x8D0] =	vst v0  }
0x80: {  	[tilespmem:$0x8E0] =	vst v0  }
0x81: {  	[tilespmem:$0x8F0] =	vst v0  }
0x82: {  	[tilespmem:$0x900] =	vst v0  }
0x83: {  	[tilespmem:$0x910] =	vst v0  }
0x84: {  	[tilespmem:$0x920] =	vst v0  }
0x85: {  	[tilespmem:$0x930] =	vst v0  }
0x86: {  	[tilespmem:$0x940] =	vst v0  }
0x87: {  	[tilespmem:$0x950] =	vst v0  }
0x88: {  	[tilespmem:$0x960] =	vst v0  }
0x89: {  	[tilespmem:$0x970] =	vst v0  }
0x8a: {  	[tilespmem:$0x980] =	vst v0  }
0x8b: {  	[tilespmem:$0x990] =	vst v0  }
0x8c: {  	[tilespmem:$0x9A0] =	vst v0  }
0x8d: {  	[tilespmem:$0x9B0] =	vst v0  }
0x8e: {  	[tilespmem:$0x9C0] =	vst v0  }
0x8f: {  	[tilespmem:$0x9D0] =	vst v0  }
0x90: {  	[tilespmem:$0x9E0] =	vst v0  }
0x91: {  	s10 =	simm.s32 @p0 $0xA0;
	[tilespmem:$0x9F0] =	vst v0  }
0x92: {  	s11 =	simm.s32 @p0 $0x0;
	s12 =	simm.s32 @p0 $0x100;
	[bflag:$0x0] =	sbarrier.arrive @p0 $0xFFFF  }
0x93: {  	[spmem:s1] =	stream.indirect.scatter.add.f32 @p0 [tilespmem:s12], [sflag:$0x1], $0x1, s11, s10, $0xb8;
	[tilespmem:$0xA80] =	vst v63  }
0x94: {  	s10 =	simm.s32 @p0 $0x1  }
0x95: {  	_ =	swait.ge @p0 [sflag:s10], $0xA0  }
0x96: {  	[sflag:s10] =	ssyncset.done @p0 $0x0  }
0x97: {  	[sflag:s10] =	ssyncadd.s32 @p0 $0xFFFFFF60  }
0x98: {  	s10 =	simm.s32 @!p0 $0x200;
	[bflag:$0x0] =	sbarrier.arrive @p0 $0xFFFF  }
0x99: {  	[spmem:s1] =	stream.linear.scatter @!p0 [tilespmem:s10], [sflag:$0x1], $0x800, $0x38;
	[tilespmem:$0xA80] =	vst v63  }
0x9a: {  	s10 =	simm.s32 @!p0 $0x1  }
0x9b: {  	_ =	swait.ge @!p0 [sflag:s10], $0x800  }
0x9c: {  	[sflag:s10] =	ssyncset.done @!p0 $0x0  }
0x9d: {  	s13 =	simm.s32 @!p0 $0x100;
	[sflag:s10] =	ssyncadd.s32 @!p0 $0xFFFFF800  }
0x9e: {  	s11 =	simm.s32 @!p0 $0xA0;
	s12 =	simm.s32 @!p0 $0x0;
	[bflag:$0x0] =	sbarrier.arrive @!p0 $0xFFFF  }
0x9f: {  	[spmem:s1] =	stream.indirect.scatter.add.f32 @!p0 [tilespmem:s13], [sflag:$0x1], $0x1, s12, s11, $0xb8;
	[tilespmem:$0xA80] =	vst v63  }
0xa0: {  	s6 =	sadd.s32 $0xFFFFFFFF, s6;
	_ =	swait.ge @!p0 [sflag:s10], $0xA0  }
0xa1: {  	p1 =	sne.s32 s6, $0x0;
	[sflag:s10] =	ssyncset.done @!p0 $0x0  }
0xa2: {  	s11 =	simm.s32 @!p0 $0x20;
	s12 =	simm.s32 @!p0 $0x10;
	[sflag:s10] =	ssyncadd.s32 @!p0 $0xFFFFFF60  }
.Ltmp0:
0xa3: {  	s13 =	simm.s32 @!p0 $0x1C01;
	[bflag:$0x0] =	sbarrier.arrive @!p0 $0xFFFF;
	(pc) =	sbr.rel @p1 .LBB2_1-.Ltmp0, $4  }
0xa4: {  	[hbm:s5@s11], [sflag:s13] =	dma.strided @!p0 [spmem:s9@s12], $0x100, s10, $0x10   }
0xa5: {  	_ =	swait.ge @!p0 [sflag:s10], $0x100  }
0xa6: {  	[sflag:s10] =	ssyncset.done @!p0 $0x0  }
0xa7: {  	[sflag:s10] =	ssyncadd.s32 @!p0 $0xFFFFFF00  }
0xa8: {  	_ =	sfence.sel $0x180000  }
0xa9: {  	[bflag:$0x0] =	sbarrier.arrive $0xFFFF  }
0xaa: {  	_ =	strace $0x90000047  }
0xab: {  	s0 =	sadd.s32 @!p0 $0x100000, s0;
	[bflag:$0x2] =	sbarrier.arrive $0xFFFF  }
0xac: {  	[sflag:s0] =	ssyncadd.tile.s32 @!p0 $0x1;
	_ =	shalt  }
.Lfunc_end2:
_tile_overlayer_lowered:
.L_overlay_start_2:
0xad: {  	(tag) =	ssettag $0x2  }
0xae: {  	s0 =	rddreg [dreg:$0x0];
	s2 =	stileid.u32  }
0xaf: {  	s1 =	rddreg [dreg:$0x1];
	p0 =	sne.s32 s2, $0x0  }
0xb0: {  	s3 =	rddreg [dreg:$0x2];
	[bflag:$0x3] =	sbarrier.arrive $0xFFFF;
	s2 =	simm.s32 @!p0 $0x1C01  }
0xb1: {  	[timem:s3], [sflag:s2] =	dma.local @!p0 [hbm:s0], s1  }
0xb2: {  	s0 =	simm.s32 @!p0 $0x1  }
0xb3: {  	_ =	swait.ge @!p0 [sflag:s0], s1  }
0xb4: {  	s1 =	ssub.s32 @!p0 $0x0, s1;
	[sflag:s0] =	ssyncset.done @!p0 $0x0  }
0xb5: {  	[sflag:s0] =	ssyncadd.s32 @!p0 s1  }
0xb6: {  	[bflag:$0x3] =	sbarrier.arrive $0xFFFF  }
0xb7: {  	_ =	shalt  }

</sc_bundles>
